<compile_context>
chip_gen: v7x
topology: tpu7x:2x2x1
jax: 0.10.2.dev20260603
libtpu: 0.0.44.dev20260713+nightly
codegen_flags: <defaults>
</compile_context>

<pallas_src>
import functools

import jax
import jax.numpy as jnp
from jax import lax
from jax.experimental import pallas as pl
from jax.experimental.pallas import tpu as pltpu
from jax.experimental.pallas import tpu_sc as plsc

N = 10000
D = 128
E = 320000
H = 64

NC = 2
NS = 16
NW = NC * NS
PER_W = E // NW
B = 128
NB = 80
NPASS = 2
NBP = NB // NPASS
PER_W_PAD = NB * B
PAD_PER_W = PER_W_PAD - PER_W
ZROWS = 632
ACC_ROWS = NS * ZROWS
OROWS = 624
TAIL = N - NS * OROWS


def _sc_aggregate(x, src3, dst3, zrows):
  mesh = plsc.VectorSubcoreMesh(core_axis_name="c", subcore_axis_name="s")

  @functools.partial(
      pl.kernel,
      out_type=jax.ShapeDtypeStruct((NC, N, D), jnp.float32),
      mesh=mesh,
      scratch_types=[
          pltpu.VMEM((NBP, B), jnp.int32),
          pltpu.VMEM((NBP, B), jnp.int32),
          pltpu.VMEM((B, D), jnp.float32),
          pltpu.VMEM((B, D), jnp.float32),
          pltpu.VMEM_SHARED((ACC_ROWS, D), jnp.float32),
          pltpu.SemaphoreType.DMA,
          pltpu.SemaphoreType.DMA,
      ],
  )
  def agg(x_hbm, src_hbm, dst_hbm, z_hbm, out_hbm, src_v, dst_v, rows0_v,
          rows1_v, acc_sh, sem0, sem1):
    c = lax.axis_index("c")
    s = lax.axis_index("s")
    w = s * NC + c
    pltpu.sync_copy(z_hbm, acc_sh.at[pl.ds(s * ZROWS, ZROWS)])
    plsc.subcore_barrier()

    for p in range(NPASS):
      pltpu.sync_copy(src_hbm.at[w, p], src_v)
      pltpu.sync_copy(dst_hbm.at[w, p], dst_v)

      pltpu.async_copy(x_hbm.at[src_v.at[0]], rows0_v, sem0)
      pltpu.async_copy(x_hbm.at[src_v.at[1]], rows1_v, sem1)

      def body(k, carry):
        j0 = 2 * k
        j1 = 2 * k + 1
        pltpu.make_async_copy(x_hbm.at[src_v.at[j0]], rows0_v, sem0).wait()
        pltpu.sync_copy(rows0_v, acc_sh.at[dst_v.at[j0]], add=True)
        pltpu.async_copy(x_hbm.at[src_v.at[j0 + 2]], rows0_v, sem0)
        pltpu.make_async_copy(x_hbm.at[src_v.at[j1]], rows1_v, sem1).wait()
        pltpu.sync_copy(rows1_v, acc_sh.at[dst_v.at[j1]], add=True)
        pltpu.async_copy(x_hbm.at[src_v.at[j1 + 2]], rows1_v, sem1)
        return carry

      lax.fori_loop(0, NBP // 2 - 1, body, 0)
      pltpu.make_async_copy(x_hbm.at[src_v.at[NBP - 2]], rows0_v, sem0).wait()
      pltpu.sync_copy(rows0_v, acc_sh.at[dst_v.at[NBP - 2]], add=True)
      pltpu.make_async_copy(x_hbm.at[src_v.at[NBP - 1]], rows1_v, sem1).wait()
      pltpu.sync_copy(rows1_v, acc_sh.at[dst_v.at[NBP - 1]], add=True)
    plsc.subcore_barrier()
    pltpu.sync_copy(acc_sh.at[pl.ds(s * OROWS, OROWS)],
                    out_hbm.at[c, pl.ds(s * OROWS, OROWS)])

    @pl.when(s == 0)
    def _():
      pltpu.sync_copy(acc_sh.at[pl.ds(NS * OROWS, TAIL)],
                      out_hbm.at[c, pl.ds(NS * OROWS, TAIL)])

  return agg(x, src3, dst3, zrows)


def _elu(v):
  return jnp.where(v > 0, v, jnp.exp(v) - 1.0)


def _tc_dense(partials, wg, bg, we1, be1, we2, be2, wd1, bd1, wd2, bd2):
  BLK = 1000

  def body(p_ref, wg_ref, bg_ref, we1_ref, be1_ref, we2_ref, be2_ref,
           wd1_ref, bd1_ref, wd2_ref, bd2_ref, o_ref):
    hb = p_ref[0] + p_ref[1]
    g3 = jnp.dot(hb, wg_ref[...], preferred_element_type=jnp.float32)
    g3 = g3 + bg_ref[...]
    ig = jax.nn.sigmoid(g3[:, :H])
    gg = jnp.tanh(g3[:, H:2 * H])
    og = jax.nn.sigmoid(g3[:, 2 * H:])
    h = jax.nn.relu(og * jnp.tanh(ig * gg))
    e = _elu(jnp.dot(h, we1_ref[...], preferred_element_type=jnp.float32)
             + be1_ref[...])
    e = _elu(jnp.dot(e, we2_ref[...], preferred_element_type=jnp.float32)
             + be2_ref[...])
    d = _elu(jnp.dot(e, wd1_ref[...], preferred_element_type=jnp.float32)
             + bd1_ref[...])
    o_ref[...] = _elu(
        jnp.dot(d, wd2_ref[...], preferred_element_type=jnp.float32)
        + bd2_ref[...])

  const = lambda i: (0, 0)
  return pl.pallas_call(
      body,
      grid=(N // BLK,),
      in_specs=[
          pl.BlockSpec((NC, BLK, D), lambda i: (0, i, 0)),
          pl.BlockSpec((D, 3 * H), const),
          pl.BlockSpec((1, 3 * H), const),
          pl.BlockSpec((H, 256), const),
          pl.BlockSpec((1, 256), const),
          pl.BlockSpec((256, 128), const),
          pl.BlockSpec((1, 128), const),
          pl.BlockSpec((128, 256), const),
          pl.BlockSpec((1, 256), const),
          pl.BlockSpec((256, H), const),
          pl.BlockSpec((1, H), const),
      ],
      out_specs=pl.BlockSpec((BLK, H), lambda i: (i, 0)),
      out_shape=jax.ShapeDtypeStruct((N, H), jnp.float32),
  )(partials, wg, bg, we1, be1, we2, be2, wd1, bd1, wd2, bd2)


def kernel(inputs, edge_index, W_ih, W_hh, b_ih, b_hh,
           W_e1, b_e1, W_e2, b_e2, W_d1, b_d1, W_d2, b_d2):
  src = edge_index[0].astype(jnp.int32)
  dst = edge_index[1].astype(jnp.int32)
  pad_src = jnp.arange(PAD_PER_W, dtype=jnp.int32) % N
  src3 = jnp.concatenate(
      [src.reshape(NW, PER_W),
       jnp.broadcast_to(pad_src, (NW, PAD_PER_W))], axis=1).reshape(
           NW, NPASS, NBP, B)
  pad_dst = N + (jnp.arange(PAD_PER_W, dtype=jnp.int32) % (ACC_ROWS - N))
  dst3 = jnp.concatenate(
      [dst.reshape(NW, PER_W),
       jnp.broadcast_to(pad_dst, (NW, PAD_PER_W))], axis=1).reshape(
           NW, NPASS, NBP, B)
  zrows = jnp.zeros((ZROWS, D), jnp.float32)

  partials = _sc_aggregate(inputs, src3, dst3, zrows)

  bsum = b_ih + b_hh
  wg = jnp.concatenate(
      [W_ih[0:H], W_ih[2 * H:3 * H], W_ih[3 * H:4 * H]], axis=0).T
  bg = jnp.concatenate(
      [bsum[0:H], bsum[2 * H:3 * H], bsum[3 * H:4 * H]]).reshape(1, 3 * H)

  return _tc_dense(
      partials,
      wg, bg,
      W_e1.T, b_e1.reshape(1, -1),
      W_e2.T, b_e2.reshape(1, -1),
      W_d1.T, b_d1.reshape(1, -1),
      W_d2.T, b_d2.reshape(1, -1))

# --- scband reference (transcript-rebuilt; emitter-appended) ---
"""Pipeline reference for scband-tgcnae-66099546685628 (READ-ONLY COPY).

The authoritative reference and input builder live on the scoring server;
editing this copy changes nothing except your own understanding.
"""

import jax, jax.numpy as jnp
import numpy as np

N = 10000
E = 320000
D = 128   # in_feats
H = 64    # tgcnout_feats
E1 = 256  # hidden_dim_list[0]
E2 = 128  # hidden_dim_list[1]


def setup_inputs(seed: int = 0) -> dict:
    key = jax.random.key(seed)
    ks = jax.random.split(key, 16)
    x = jax.random.normal(ks[0], (N, D), dtype=jnp.float32)
    edge_index = jax.random.randint(ks[1], (2, E), 0, N)
    s = 0.05
    # LSTMCell params (gate order: i, f, g, o)
    W_ih = jax.random.normal(ks[2], (4 * H, D), dtype=jnp.float32) * s
    W_hh = jax.random.normal(ks[3], (4 * H, H), dtype=jnp.float32) * s
    b_ih = jax.random.normal(ks[4], (4 * H,), dtype=jnp.float32) * s
    b_hh = jax.random.normal(ks[5], (4 * H,), dtype=jnp.float32) * s
    # encoder: [H -> E1 -> E2]
    W_e1 = jax.random.normal(ks[6], (E1, H), dtype=jnp.float32) * s
    b_e1 = jax.random.normal(ks[7], (E1,), dtype=jnp.float32) * s
    W_e2 = jax.random.normal(ks[8], (E2, E1), dtype=jnp.float32) * s
    b_e2 = jax.random.normal(ks[9], (E2,), dtype=jnp.float32) * s
    # decoder (symmetric): [E2 -> E1 -> H]
    W_d1 = jax.random.normal(ks[10], (E1, E2), dtype=jnp.float32) * s
    b_d1 = jax.random.normal(ks[11], (E1,), dtype=jnp.float32) * s
    W_d2 = jax.random.normal(ks[12], (H, E1), dtype=jnp.float32) * s
    b_d2 = jax.random.normal(ks[13], (H,), dtype=jnp.float32) * s
    return {"inputs": x, "edge_index": edge_index,
            "W_ih": W_ih, "W_hh": W_hh, "b_ih": b_ih, "b_hh": b_hh,
            "W_e1": W_e1, "b_e1": b_e1, "W_e2": W_e2, "b_e2": b_e2,
            "W_d1": W_d1, "b_d1": b_d1, "W_d2": W_d2, "b_d2": b_d2}


def reference(inputs, edge_index, W_ih, W_hh, b_ih, b_hh,
              W_e1, b_e1, W_e2, b_e2, W_d1, b_d1, W_d2, b_d2):
    # TGCNCell: dropout is identity in eval mode.
    src = edge_index[0]
    dst = edge_index[1]
    # DGL copy_src + sum reduce: h[v] = sum_{(u->v) in E} x[u]
    h_agg = jnp.zeros_like(inputs).at[dst].add(inputs[src])
    # nn.LSTMCell with implicit zero initial (h0, c0)
    h0 = jnp.zeros((inputs.shape[0], W_hh.shape[1]), dtype=inputs.dtype)
    gates = h_agg @ W_ih.T + b_ih + h0 @ W_hh.T + b_hh
    i_g, f_g, g_g, o_g = jnp.split(gates, 4, axis=1)
    i_g = jax.nn.sigmoid(i_g)
    f_g = jax.nn.sigmoid(f_g)
    g_g = jnp.tanh(g_g)
    o_g = jax.nn.sigmoid(o_g)
    c1 = f_g * 0.0 + i_g * g_g  # c0 = 0
    h1 = o_g * jnp.tanh(c1)
    h = jax.nn.relu(h1)  # activf
    # encoder: Linear + ELU stacks
    e = jax.nn.elu(h @ W_e1.T + b_e1)
    e = jax.nn.elu(e @ W_e2.T + b_e2)
    # decoder: Linear + ELU stacks
    d = jax.nn.elu(e @ W_d1.T + b_d1)
    d = jax.nn.elu(d @ W_d2.T + b_d2)
    return d

if __name__ == "__main__":
    import jax
    _d = setup_inputs()
    print(jax.jit(kernel)(*tuple(_d.values())))

</pallas_src>

<mosaic_0001>
#map = affine_map<(d0, d1) -> (0, 0)>
#map1 = affine_map<(d0, d1) -> (0, 0, 0, 0)>
#map2 = affine_map<(d0, d1) -> (0, 0, 0)>
module attributes {stable_mosaic.version = 14 : i64} {
  func.func @agg(%arg0: i32, %arg1: i32, %arg2: memref<10000x128xf32, #tpu.memory_space<hbm>>, %arg3: memref<32x2x40x128xi32, #tpu.memory_space<hbm>>, %arg4: memref<32x2x40x128xi32, #tpu.memory_space<hbm>>, %arg5: memref<632x128xf32, #tpu.memory_space<hbm>>, %arg6: memref<2x10000x128xf32, #tpu.memory_space<hbm>>, %arg7: memref<40x128xi32, #tpu.memory_space<vmem>>, %arg8: memref<40x128xi32, #tpu.memory_space<vmem>>, %arg9: memref<128x128xf32, #tpu.memory_space<vmem>>, %arg10: memref<128x128xf32, #tpu.memory_space<vmem>>, %arg11: memref<10112x128xf32, #tpu.memory_space<vmem_shared>>, %arg12: memref<!tpu.dma_semaphore, #tpu.memory_space<semaphore_mem>>, %arg13: memref<!tpu.dma_semaphore, #tpu.memory_space<semaphore_mem>>) attributes {dimension_semantics = [#tpu.dimension_semantics<core_parallel>, #tpu.dimension_semantics<subcore_parallel>], iteration_bounds = array<i64: 2, 16>, scalar_prefetch = 0 : i64, scratch_operands = 7 : i64, tpu.core_type = #tpu.core_type<sc_vector_subcore>, window_params = [{transform_indices = #map}, {transform_indices = #map1}, {transform_indices = #map1}, {transform_indices = #map}, {transform_indices = #map2}]} {
    %mul3A = arith.constant 2 : i32
    %mul3A_0 = arith.muli %arg1, %mul3A : i32
    %add3A = arith.addi %mul3A_0, %arg0 : i32
    %mul3A_1 = arith.constant 632 : i32
    %mul3A_2 = arith.muli %arg1, %mul3A_1 : i32
    "tpu.region"() ({
      %run_scoped3A_82 = tpu.sem_alloc : memref<!tpu.dma_semaphore, #tpu.memory_space<semaphore_mem>>
      %dma_start3A_83 = arith.constant 0 : i32
      %dma_start3A_84 = tpu.memref_slice %arg11[%mul3A_2, %dma_start3A_83] : memref<10112x128xf32, #tpu.memory_space<vmem_shared>> -> memref<632x128xf32, #tpu.memory_space<vmem_shared>>
      tpu.enqueue_dma source(%arg5 : memref<632x128xf32, #tpu.memory_space<hbm>>) target(%dma_start3A_84 : memref<632x128xf32, #tpu.memory_space<vmem_shared>>) target_semaphore(%run_scoped3A_82 : memref<!tpu.dma_semaphore, #tpu.memory_space<semaphore_mem>>)
      %dma_wait3A_85 = arith.constant 0 : i32
      %dma_wait3A_86 = tpu.memref_slice %arg11[%mul3A_2, %dma_wait3A_85] : memref<10112x128xf32, #tpu.memory_space<vmem_shared>> -> memref<632x128xf32, #tpu.memory_space<vmem_shared>>
      tpu.wait_dma2 semaphore(%run_scoped3A_82 : memref<!tpu.dma_semaphore, #tpu.memory_space<semaphore_mem>>) src(%arg5 : memref<632x128xf32, #tpu.memory_space<hbm>>) dst(%dma_wait3A_86 : memref<632x128xf32, #tpu.memory_space<vmem_shared>>)
      tpu.yield
    }) : () -> ()
    %barrier3A = arith.constant 0 : index
    tpu.barrier barrier_id(%barrier3A)
    %run_scoped3A = arith.constant 0 : i32
    "tpu.region"() ({
      %run_scoped3A_82 = tpu.sem_alloc : memref<!tpu.dma_semaphore, #tpu.memory_space<semaphore_mem>>
      %dma_start3A_83 = arith.constant 0 : i32
      %dma_start3A_84 = arith.constant 0 : i32
      %dma_start3A_85 = tpu.memref_slice %arg3[%add3A, %run_scoped3A, %dma_start3A_83, %dma_start3A_84] : memref<32x2x40x128xi32, #tpu.memory_space<hbm>> -> memref<1x1x40x128xi32, #tpu.memory_space<hbm>>
      %dma_start3A_86 = tpu.memref_squeeze %dma_start3A_85 : memref<1x1x40x128xi32, #tpu.memory_space<hbm>> -> memref<40x128xi32, #tpu.memory_space<hbm>>
      %dma_start3A_87 = arith.constant 0 : i32
      %dma_start3A_88 = arith.constant 0 : i32
      %dma_start3A_89 = tpu.memref_slice %arg3[%add3A, %run_scoped3A, %dma_start3A_87, %dma_start3A_88] : memref<32x2x40x128xi32, #tpu.memory_space<hbm>> -> memref<1x1x40x128xi32, #tpu.memory_space<hbm>>
      %dma_start3A_90 = tpu.memref_squeeze %dma_start3A_89 : memref<1x1x40x128xi32, #tpu.memory_space<hbm>> -> memref<40x128xi32, #tpu.memory_space<hbm>>
      tpu.enqueue_dma source(%dma_start3A_90 : memref<40x128xi32, #tpu.memory_space<hbm>>) target(%arg7 : memref<40x128xi32, #tpu.memory_space<vmem>>) target_semaphore(%run_scoped3A_82 : memref<!tpu.dma_semaphore, #tpu.memory_space<semaphore_mem>>)
      %dma_wait3A_91 = arith.constant 0 : i32
      %dma_wait3A_92 = arith.constant 0 : i32
      %dma_wait3A_93 = tpu.memref_slice %arg3[%add3A, %run_scoped3A, %dma_wait3A_91, %dma_wait3A_92] : memref<32x2x40x128xi32, #tpu.memory_space<hbm>> -> memref<1x1x40x128xi32, #tpu.memory_space<hbm>>
      %dma_wait3A_94 = tpu.memref_squeeze %dma_wait3A_93 : memref<1x1x40x128xi32, #tpu.memory_space<hbm>> -> memref<40x128xi32, #tpu.memory_space<hbm>>
      %dma_wait3A_95 = arith.constant 0 : i32
      %dma_wait3A_96 = arith.constant 0 : i32
      %dma_wait3A_97 = tpu.memref_slice %arg3[%add3A, %run_scoped3A, %dma_wait3A_95, %dma_wait3A_96] : memref<32x2x40x128xi32, #tpu.memory_space<hbm>> -> memref<1x1x40x128xi32, #tpu.memory_space<hbm>>
      %dma_wait3A_98 = tpu.memref_squeeze %dma_wait3A_97 : memref<1x1x40x128xi32, #tpu.memory_space<hbm>> -> memref<40x128xi32, #tpu.memory_space<hbm>>
      tpu.wait_dma2 semaphore(%run_scoped3A_82 : memref<!tpu.dma_semaphore, #tpu.memory_space<semaphore_mem>>) src(%dma_wait3A_98 : memref<40x128xi32, #tpu.memory_space<hbm>>) dst(%arg7 : memref<40x128xi32, #tpu.memory_space<vmem>>)
      tpu.yield
    }) : () -> ()
    %run_scoped3A_3 = arith.constant 0 : i32
    "tpu.region"() ({
      %run_scoped3A_82 = tpu.sem_alloc : memref<!tpu.dma_semaphore, #tpu.memory_space<semaphore_mem>>
      %dma_start3A_83 = arith.constant 0 : i32
      %dma_start3A_84 = arith.constant 0 : i32
      %dma_start3A_85 = tpu.memref_slice %arg4[%add3A, %run_scoped3A_3, %dma_start3A_83, %dma_start3A_84] : memref<32x2x40x128xi32, #tpu.memory_space<hbm>> -> memref<1x1x40x128xi32, #tpu.memory_space<hbm>>
      %dma_start3A_86 = tpu.memref_squeeze %dma_start3A_85 : memref<1x1x40x128xi32, #tpu.memory_space<hbm>> -> memref<40x128xi32, #tpu.memory_space<hbm>>
      %dma_start3A_87 = arith.constant 0 : i32
      %dma_start3A_88 = arith.constant 0 : i32
      %dma_start3A_89 = tpu.memref_slice %arg4[%add3A, %run_scoped3A_3, %dma_start3A_87, %dma_start3A_88] : memref<32x2x40x128xi32, #tpu.memory_space<hbm>> -> memref<1x1x40x128xi32, #tpu.memory_space<hbm>>
      %dma_start3A_90 = tpu.memref_squeeze %dma_start3A_89 : memref<1x1x40x128xi32, #tpu.memory_space<hbm>> -> memref<40x128xi32, #tpu.memory_space<hbm>>
      tpu.enqueue_dma source(%dma_start3A_90 : memref<40x128xi32, #tpu.memory_space<hbm>>) target(%arg8 : memref<40x128xi32, #tpu.memory_space<vmem>>) target_semaphore(%run_scoped3A_82 : memref<!tpu.dma_semaphore, #tpu.memory_space<semaphore_mem>>)
      %dma_wait3A_91 = arith.constant 0 : i32
      %dma_wait3A_92 = arith.constant 0 : i32
      %dma_wait3A_93 = tpu.memref_slice %arg4[%add3A, %run_scoped3A_3, %dma_wait3A_91, %dma_wait3A_92] : memref<32x2x40x128xi32, #tpu.memory_space<hbm>> -> memref<1x1x40x128xi32, #tpu.memory_space<hbm>>
      %dma_wait3A_94 = tpu.memref_squeeze %dma_wait3A_93 : memref<1x1x40x128xi32, #tpu.memory_space<hbm>> -> memref<40x128xi32, #tpu.memory_space<hbm>>
      %dma_wait3A_95 = arith.constant 0 : i32
      %dma_wait3A_96 = arith.constant 0 : i32
      %dma_wait3A_97 = tpu.memref_slice %arg4[%add3A, %run_scoped3A_3, %dma_wait3A_95, %dma_wait3A_96] : memref<32x2x40x128xi32, #tpu.memory_space<hbm>> -> memref<1x1x40x128xi32, #tpu.memory_space<hbm>>
      %dma_wait3A_98 = tpu.memref_squeeze %dma_wait3A_97 : memref<1x1x40x128xi32, #tpu.memory_space<hbm>> -> memref<40x128xi32, #tpu.memory_space<hbm>>
      tpu.wait_dma2 semaphore(%run_scoped3A_82 : memref<!tpu.dma_semaphore, #tpu.memory_space<semaphore_mem>>) src(%dma_wait3A_98 : memref<40x128xi32, #tpu.memory_space<hbm>>) dst(%arg8 : memref<40x128xi32, #tpu.memory_space<vmem>>)
      tpu.yield
    }) : () -> ()
    %dma_start3A = arith.constant 0 : i32
    %dma_start3A_4 = arith.constant 0 : i32
    %dma_start3A_5 = tpu.memref_slice %arg7[%dma_start3A, %dma_start3A_4] : memref<40x128xi32, #tpu.memory_space<vmem>> -> memref<1x128xi32, #tpu.memory_space<vmem>>
    %dma_start3A_6 = tpu.memref_squeeze %dma_start3A_5 : memref<1x128xi32, #tpu.memory_space<vmem>> -> memref<128xi32, #tpu.memory_space<vmem>>
    %dma_start3A_7 = arith.constant 0 : i32
    %dma_start3A_8 = arith.constant 0 : i32
    %dma_start3A_9 = tpu.memref_slice %arg2[%dma_start3A_7, %dma_start3A_8] : memref<10000x128xf32, #tpu.memory_space<hbm>> -> memref<10000x128xf32, #tpu.memory_space<hbm>>
    tpu.enqueue_indirect_dma source(%dma_start3A_9 : memref<10000x128xf32, #tpu.memory_space<hbm>>) target(%arg9 : memref<128x128xf32, #tpu.memory_space<vmem>>) offsets(%dma_start3A_6 : memref<128xi32, #tpu.memory_space<vmem>>) semaphore(%arg12 : memref<!tpu.dma_semaphore, #tpu.memory_space<semaphore_mem>>)
    %dma_start3A_10 = arith.constant 1 : i32
    %dma_start3A_11 = arith.constant 0 : i32
    %dma_start3A_12 = tpu.memref_slice %arg7[%dma_start3A_10, %dma_start3A_11] : memref<40x128xi32, #tpu.memory_space<vmem>> -> memref<1x128xi32, #tpu.memory_space<vmem>>
    %dma_start3A_13 = tpu.memref_squeeze %dma_start3A_12 : memref<1x128xi32, #tpu.memory_space<vmem>> -> memref<128xi32, #tpu.memory_space<vmem>>
    %dma_start3A_14 = arith.constant 0 : i32
    %dma_start3A_15 = arith.constant 0 : i32
    %dma_start3A_16 = tpu.memref_slice %arg2[%dma_start3A_14, %dma_start3A_15] : memref<10000x128xf32, #tpu.memory_space<hbm>> -> memref<10000x128xf32, #tpu.memory_space<hbm>>
    tpu.enqueue_indirect_dma source(%dma_start3A_16 : memref<10000x128xf32, #tpu.memory_space<hbm>>) target(%arg10 : memref<128x128xf32, #tpu.memory_space<vmem>>) offsets(%dma_start3A_13 : memref<128xi32, #tpu.memory_space<vmem>>) semaphore(%arg13 : memref<!tpu.dma_semaphore, #tpu.memory_space<semaphore_mem>>)
    %scan3A = arith.constant 0 : i32
    %scan3A_17 = arith.constant 0 : i32
    %scan3A_18 = arith.constant 19 : i32
    %scan3A_19 = arith.addi %scan3A_17, %scan3A_18 : i32
    %scan3A_20 = arith.constant 1 : i32
    scf.for %scan3A_82 = %scan3A_17 to %scan3A_19 step %scan3A_20  : i32 {
      %mul3A_83 = arith.constant 2 : i32
      %mul3A_84 = arith.muli %mul3A_83, %scan3A_82 : i32
      %mul3A_85 = arith.constant 2 : i32
      %mul3A_86 = arith.muli %mul3A_85, %scan3A_82 : i32
      %add3A_87 = arith.constant 1 : i32
      %add3A_88 = arith.addi %mul3A_86, %add3A_87 : i32
      %dma_wait3A_89 = arith.constant 0 : i32
      %dma_wait3A_90 = tpu.memref_slice %arg7[%mul3A_84, %dma_wait3A_89] : memref<40x128xi32, #tpu.memory_space<vmem>> -> memref<1x128xi32, #tpu.memory_space<vmem>>
      %dma_wait3A_91 = tpu.memref_squeeze %dma_wait3A_90 : memref<1x128xi32, #tpu.memory_space<vmem>> -> memref<128xi32, #tpu.memory_space<vmem>>
      %dma_wait3A_92 = arith.constant 0 : i32
      %dma_wait3A_93 = arith.constant 0 : i32
      %dma_wait3A_94 = tpu.memref_slice %arg2[%dma_wait3A_92, %dma_wait3A_93] : memref<10000x128xf32, #tpu.memory_space<hbm>> -> memref<10000x128xf32, #tpu.memory_space<hbm>>
      tpu.wait_indirect_dma semaphore(%arg12 : memref<!tpu.dma_semaphore, #tpu.memory_space<semaphore_mem>>) src(%dma_wait3A_94 : memref<10000x128xf32, #tpu.memory_space<hbm>>) dst(%arg9 : memref<128x128xf32, #tpu.memory_space<vmem>>)
      "tpu.region"() ({
        %run_scoped3A_117 = tpu.sem_alloc : memref<!tpu.dma_semaphore, #tpu.memory_space<semaphore_mem>>
        %dma_start3A_118 = arith.constant 0 : i32
        %dma_start3A_119 = tpu.memref_slice %arg8[%mul3A_84, %dma_start3A_118] : memref<40x128xi32, #tpu.memory_space<vmem>> -> memref<1x128xi32, #tpu.memory_space<vmem>>
        %dma_start3A_120 = tpu.memref_squeeze %dma_start3A_119 : memref<1x128xi32, #tpu.memory_space<vmem>> -> memref<128xi32, #tpu.memory_space<vmem>>
        %dma_start3A_121 = arith.constant 0 : i32
        %dma_start3A_122 = arith.constant 0 : i32
        %dma_start3A_123 = tpu.memref_slice %arg11[%dma_start3A_121, %dma_start3A_122] : memref<10112x128xf32, #tpu.memory_space<vmem_shared>> -> memref<10112x128xf32, #tpu.memory_space<vmem_shared>>
        tpu.enqueue_indirect_dma source(%arg9 : memref<128x128xf32, #tpu.memory_space<vmem>>) target(%dma_start3A_123 : memref<10112x128xf32, #tpu.memory_space<vmem_shared>>) offsets(%dma_start3A_120 : memref<128xi32, #tpu.memory_space<vmem>>) semaphore(%run_scoped3A_117 : memref<!tpu.dma_semaphore, #tpu.memory_space<semaphore_mem>>) {add = true}
        %dma_wait3A_124 = arith.constant 0 : i32
        %dma_wait3A_125 = tpu.memref_slice %arg8[%mul3A_84, %dma_wait3A_124] : memref<40x128xi32, #tpu.memory_space<vmem>> -> memref<1x128xi32, #tpu.memory_space<vmem>>
        %dma_wait3A_126 = tpu.memref_squeeze %dma_wait3A_125 : memref<1x128xi32, #tpu.memory_space<vmem>> -> memref<128xi32, #tpu.memory_space<vmem>>
        %dma_wait3A_127 = arith.constant 0 : i32
        %dma_wait3A_128 = arith.constant 0 : i32
        %dma_wait3A_129 = tpu.memref_slice %arg11[%dma_wait3A_127, %dma_wait3A_128] : memref<10112x128xf32, #tpu.memory_space<vmem_shared>> -> memref<10112x128xf32, #tpu.memory_space<vmem_shared>>
        tpu.wait_indirect_dma semaphore(%run_scoped3A_117 : memref<!tpu.dma_semaphore, #tpu.memory_space<semaphore_mem>>) src(%arg9 : memref<128x128xf32, #tpu.memory_space<vmem>>) dst(%dma_wait3A_129 : memref<10112x128xf32, #tpu.memory_space<vmem_shared>>)
        tpu.yield
      }) : () -> ()
      %add3A_95 = arith.constant 2 : i32
      %add3A_96 = arith.addi %mul3A_84, %add3A_95 : i32
      %dma_start3A_97 = arith.constant 0 : i32
      %dma_start3A_98 = tpu.memref_slice %arg7[%add3A_96, %dma_start3A_97] : memref<40x128xi32, #tpu.memory_space<vmem>> -> memref<1x128xi32, #tpu.memory_space<vmem>>
      %dma_start3A_99 = tpu.memref_squeeze %dma_start3A_98 : memref<1x128xi32, #tpu.memory_space<vmem>> -> memref<128xi32, #tpu.memory_space<vmem>>
      %dma_start3A_100 = arith.constant 0 : i32
      %dma_start3A_101 = arith.constant 0 : i32
      %dma_start3A_102 = tpu.memref_slice %arg2[%dma_start3A_100, %dma_start3A_101] : memref<10000x128xf32, #tpu.memory_space<hbm>> -> memref<10000x128xf32, #tpu.memory_space<hbm>>
      tpu.enqueue_indirect_dma source(%dma_start3A_102 : memref<10000x128xf32, #tpu.memory_space<hbm>>) target(%arg9 : memref<128x128xf32, #tpu.memory_space<vmem>>) offsets(%dma_start3A_99 : memref<128xi32, #tpu.memory_space<vmem>>) semaphore(%arg12 : memref<!tpu.dma_semaphore, #tpu.memory_space<semaphore_mem>>)
      %dma_wait3A_103 = arith.constant 0 : i32
      %dma_wait3A_104 = tpu.memref_slice %arg7[%add3A_88, %dma_wait3A_103] : memref<40x128xi32, #tpu.memory_space<vmem>> -> memref<1x128xi32, #tpu.memory_space<vmem>>
      %dma_wait3A_105 = tpu.memref_squeeze %dma_wait3A_104 : memref<1x128xi32, #tpu.memory_space<vmem>> -> memref<128xi32, #tpu.memory_space<vmem>>
      %dma_wait3A_106 = arith.constant 0 : i32
      %dma_wait3A_107 = arith.constant 0 : i32
      %dma_wait3A_108 = tpu.memref_slice %arg2[%dma_wait3A_106, %dma_wait3A_107] : memref<10000x128xf32, #tpu.memory_space<hbm>> -> memref<10000x128xf32, #tpu.memory_space<hbm>>
      tpu.wait_indirect_dma semaphore(%arg13 : memref<!tpu.dma_semaphore, #tpu.memory_space<semaphore_mem>>) src(%dma_wait3A_108 : memref<10000x128xf32, #tpu.memory_space<hbm>>) dst(%arg10 : memref<128x128xf32, #tpu.memory_space<vmem>>)
      "tpu.region"() ({
        %run_scoped3A_117 = tpu.sem_alloc : memref<!tpu.dma_semaphore, #tpu.memory_space<semaphore_mem>>
        %dma_start3A_118 = arith.constant 0 : i32
        %dma_start3A_119 = tpu.memref_slice %arg8[%add3A_88, %dma_start3A_118] : memref<40x128xi32, #tpu.memory_space<vmem>> -> memref<1x128xi32, #tpu.memory_space<vmem>>
        %dma_start3A_120 = tpu.memref_squeeze %dma_start3A_119 : memref<1x128xi32, #tpu.memory_space<vmem>> -> memref<128xi32, #tpu.memory_space<vmem>>
        %dma_start3A_121 = arith.constant 0 : i32
        %dma_start3A_122 = arith.constant 0 : i32
        %dma_start3A_123 = tpu.memref_slice %arg11[%dma_start3A_121, %dma_start3A_122] : memref<10112x128xf32, #tpu.memory_space<vmem_shared>> -> memref<10112x128xf32, #tpu.memory_space<vmem_shared>>
        tpu.enqueue_indirect_dma source(%arg10 : memref<128x128xf32, #tpu.memory_space<vmem>>) target(%dma_start3A_123 : memref<10112x128xf32, #tpu.memory_space<vmem_shared>>) offsets(%dma_start3A_120 : memref<128xi32, #tpu.memory_space<vmem>>) semaphore(%run_scoped3A_117 : memref<!tpu.dma_semaphore, #tpu.memory_space<semaphore_mem>>) {add = true}
        %dma_wait3A_124 = arith.constant 0 : i32
        %dma_wait3A_125 = tpu.memref_slice %arg8[%add3A_88, %dma_wait3A_124] : memref<40x128xi32, #tpu.memory_space<vmem>> -> memref<1x128xi32, #tpu.memory_space<vmem>>
        %dma_wait3A_126 = tpu.memref_squeeze %dma_wait3A_125 : memref<1x128xi32, #tpu.memory_space<vmem>> -> memref<128xi32, #tpu.memory_space<vmem>>
        %dma_wait3A_127 = arith.constant 0 : i32
        %dma_wait3A_128 = arith.constant 0 : i32
        %dma_wait3A_129 = tpu.memref_slice %arg11[%dma_wait3A_127, %dma_wait3A_128] : memref<10112x128xf32, #tpu.memory_space<vmem_shared>> -> memref<10112x128xf32, #tpu.memory_space<vmem_shared>>
        tpu.wait_indirect_dma semaphore(%run_scoped3A_117 : memref<!tpu.dma_semaphore, #tpu.memory_space<semaphore_mem>>) src(%arg10 : memref<128x128xf32, #tpu.memory_space<vmem>>) dst(%dma_wait3A_129 : memref<10112x128xf32, #tpu.memory_space<vmem_shared>>)
        tpu.yield
      }) : () -> ()
      %add3A_109 = arith.constant 2 : i32
      %add3A_110 = arith.addi %add3A_88, %add3A_109 : i32
      %dma_start3A_111 = arith.constant 0 : i32
      %dma_start3A_112 = tpu.memref_slice %arg7[%add3A_110, %dma_start3A_111] : memref<40x128xi32, #tpu.memory_space<vmem>> -> memref<1x128xi32, #tpu.memory_space<vmem>>
      %dma_start3A_113 = tpu.memref_squeeze %dma_start3A_112 : memref<1x128xi32, #tpu.memory_space<vmem>> -> memref<128xi32, #tpu.memory_space<vmem>>
      %dma_start3A_114 = arith.constant 0 : i32
      %dma_start3A_115 = arith.constant 0 : i32
      %dma_start3A_116 = tpu.memref_slice %arg2[%dma_start3A_114, %dma_start3A_115] : memref<10000x128xf32, #tpu.memory_space<hbm>> -> memref<10000x128xf32, #tpu.memory_space<hbm>>
      tpu.enqueue_indirect_dma source(%dma_start3A_116 : memref<10000x128xf32, #tpu.memory_space<hbm>>) target(%arg10 : memref<128x128xf32, #tpu.memory_space<vmem>>) offsets(%dma_start3A_113 : memref<128xi32, #tpu.memory_space<vmem>>) semaphore(%arg13 : memref<!tpu.dma_semaphore, #tpu.memory_space<semaphore_mem>>)
    }
    %scan3A_21 = arith.constant 19 : i32
    %dma_wait3A = arith.constant 38 : i32
    %dma_wait3A_22 = arith.constant 0 : i32
    %dma_wait3A_23 = tpu.memref_slice %arg7[%dma_wait3A, %dma_wait3A_22] : memref<40x128xi32, #tpu.memory_space<vmem>> -> memref<1x128xi32, #tpu.memory_space<vmem>>
    %dma_wait3A_24 = tpu.memref_squeeze %dma_wait3A_23 : memref<1x128xi32, #tpu.memory_space<vmem>> -> memref<128xi32, #tpu.memory_space<vmem>>
    %dma_wait3A_25 = arith.constant 0 : i32
    %dma_wait3A_26 = arith.constant 0 : i32
    %dma_wait3A_27 = tpu.memref_slice %arg2[%dma_wait3A_25, %dma_wait3A_26] : memref<10000x128xf32, #tpu.memory_space<hbm>> -> memref<10000x128xf32, #tpu.memory_space<hbm>>
    tpu.wait_indirect_dma semaphore(%arg12 : memref<!tpu.dma_semaphore, #tpu.memory_space<semaphore_mem>>) src(%dma_wait3A_27 : memref<10000x128xf32, #tpu.memory_space<hbm>>) dst(%arg9 : memref<128x128xf32, #tpu.memory_space<vmem>>)
    %run_scoped3A_28 = arith.constant 38 : i32
    "tpu.region"() ({
      %run_scoped3A_82 = tpu.sem_alloc : memref<!tpu.dma_semaphore, #tpu.memory_space<semaphore_mem>>
      %dma_start3A_83 = arith.constant 0 : i32
      %dma_start3A_84 = tpu.memref_slice %arg8[%run_scoped3A_28, %dma_start3A_83] : memref<40x128xi32, #tpu.memory_space<vmem>> -> memref<1x128xi32, #tpu.memory_space<vmem>>
      %dma_start3A_85 = tpu.memref_squeeze %dma_start3A_84 : memref<1x128xi32, #tpu.memory_space<vmem>> -> memref<128xi32, #tpu.memory_space<vmem>>
      %dma_start3A_86 = arith.constant 0 : i32
      %dma_start3A_87 = arith.constant 0 : i32
      %dma_start3A_88 = tpu.memref_slice %arg11[%dma_start3A_86, %dma_start3A_87] : memref<10112x128xf32, #tpu.memory_space<vmem_shared>> -> memref<10112x128xf32, #tpu.memory_space<vmem_shared>>
      tpu.enqueue_indirect_dma source(%arg9 : memref<128x128xf32, #tpu.memory_space<vmem>>) target(%dma_start3A_88 : memref<10112x128xf32, #tpu.memory_space<vmem_shared>>) offsets(%dma_start3A_85 : memref<128xi32, #tpu.memory_space<vmem>>) semaphore(%run_scoped3A_82 : memref<!tpu.dma_semaphore, #tpu.memory_space<semaphore_mem>>) {add = true}
      %dma_wait3A_89 = arith.constant 0 : i32
      %dma_wait3A_90 = tpu.memref_slice %arg8[%run_scoped3A_28, %dma_wait3A_89] : memref<40x128xi32, #tpu.memory_space<vmem>> -> memref<1x128xi32, #tpu.memory_space<vmem>>
      %dma_wait3A_91 = tpu.memref_squeeze %dma_wait3A_90 : memref<1x128xi32, #tpu.memory_space<vmem>> -> memref<128xi32, #tpu.memory_space<vmem>>
      %dma_wait3A_92 = arith.constant 0 : i32
      %dma_wait3A_93 = arith.constant 0 : i32
      %dma_wait3A_94 = tpu.memref_slice %arg11[%dma_wait3A_92, %dma_wait3A_93] : memref<10112x128xf32, #tpu.memory_space<vmem_shared>> -> memref<10112x128xf32, #tpu.memory_space<vmem_shared>>
      tpu.wait_indirect_dma semaphore(%run_scoped3A_82 : memref<!tpu.dma_semaphore, #tpu.memory_space<semaphore_mem>>) src(%arg9 : memref<128x128xf32, #tpu.memory_space<vmem>>) dst(%dma_wait3A_94 : memref<10112x128xf32, #tpu.memory_space<vmem_shared>>)
      tpu.yield
    }) : () -> ()
    %dma_wait3A_29 = arith.constant 39 : i32
    %dma_wait3A_30 = arith.constant 0 : i32
    %dma_wait3A_31 = tpu.memref_slice %arg7[%dma_wait3A_29, %dma_wait3A_30] : memref<40x128xi32, #tpu.memory_space<vmem>> -> memref<1x128xi32, #tpu.memory_space<vmem>>
    %dma_wait3A_32 = tpu.memref_squeeze %dma_wait3A_31 : memref<1x128xi32, #tpu.memory_space<vmem>> -> memref<128xi32, #tpu.memory_space<vmem>>
    %dma_wait3A_33 = arith.constant 0 : i32
    %dma_wait3A_34 = arith.constant 0 : i32
    %dma_wait3A_35 = tpu.memref_slice %arg2[%dma_wait3A_33, %dma_wait3A_34] : memref<10000x128xf32, #tpu.memory_space<hbm>> -> memref<10000x128xf32, #tpu.memory_space<hbm>>
    tpu.wait_indirect_dma semaphore(%arg13 : memref<!tpu.dma_semaphore, #tpu.memory_space<semaphore_mem>>) src(%dma_wait3A_35 : memref<10000x128xf32, #tpu.memory_space<hbm>>) dst(%arg10 : memref<128x128xf32, #tpu.memory_space<vmem>>)
    %run_scoped3A_36 = arith.constant 39 : i32
    "tpu.region"() ({
      %run_scoped3A_82 = tpu.sem_alloc : memref<!tpu.dma_semaphore, #tpu.memory_space<semaphore_mem>>
      %dma_start3A_83 = arith.constant 0 : i32
      %dma_start3A_84 = tpu.memref_slice %arg8[%run_scoped3A_36, %dma_start3A_83] : memref<40x128xi32, #tpu.memory_space<vmem>> -> memref<1x128xi32, #tpu.memory_space<vmem>>
      %dma_start3A_85 = tpu.memref_squeeze %dma_start3A_84 : memref<1x128xi32, #tpu.memory_space<vmem>> -> memref<128xi32, #tpu.memory_space<vmem>>
      %dma_start3A_86 = arith.constant 0 : i32
      %dma_start3A_87 = arith.constant 0 : i32
      %dma_start3A_88 = tpu.memref_slice %arg11[%dma_start3A_86, %dma_start3A_87] : memref<10112x128xf32, #tpu.memory_space<vmem_shared>> -> memref<10112x128xf32, #tpu.memory_space<vmem_shared>>
      tpu.enqueue_indirect_dma source(%arg10 : memref<128x128xf32, #tpu.memory_space<vmem>>) target(%dma_start3A_88 : memref<10112x128xf32, #tpu.memory_space<vmem_shared>>) offsets(%dma_start3A_85 : memref<128xi32, #tpu.memory_space<vmem>>) semaphore(%run_scoped3A_82 : memref<!tpu.dma_semaphore, #tpu.memory_space<semaphore_mem>>) {add = true}
      %dma_wait3A_89 = arith.constant 0 : i32
      %dma_wait3A_90 = tpu.memref_slice %arg8[%run_scoped3A_36, %dma_wait3A_89] : memref<40x128xi32, #tpu.memory_space<vmem>> -> memref<1x128xi32, #tpu.memory_space<vmem>>
      %dma_wait3A_91 = tpu.memref_squeeze %dma_wait3A_90 : memref<1x128xi32, #tpu.memory_space<vmem>> -> memref<128xi32, #tpu.memory_space<vmem>>
      %dma_wait3A_92 = arith.constant 0 : i32
      %dma_wait3A_93 = arith.constant 0 : i32
      %dma_wait3A_94 = tpu.memref_slice %arg11[%dma_wait3A_92, %dma_wait3A_93] : memref<10112x128xf32, #tpu.memory_space<vmem_shared>> -> memref<10112x128xf32, #tpu.memory_space<vmem_shared>>
      tpu.wait_indirect_dma semaphore(%run_scoped3A_82 : memref<!tpu.dma_semaphore, #tpu.memory_space<semaphore_mem>>) src(%arg10 : memref<128x128xf32, #tpu.memory_space<vmem>>) dst(%dma_wait3A_94 : memref<10112x128xf32, #tpu.memory_space<vmem_shared>>)
      tpu.yield
    }) : () -> ()
    %run_scoped3A_37 = arith.constant 1 : i32
    "tpu.region"() ({
      %run_scoped3A_82 = tpu.sem_alloc : memref<!tpu.dma_semaphore, #tpu.memory_space<semaphore_mem>>
      %dma_start3A_83 = arith.constant 0 : i32
      %dma_start3A_84 = arith.constant 0 : i32
      %dma_start3A_85 = tpu.memref_slice %arg3[%add3A, %run_scoped3A_37, %dma_start3A_83, %dma_start3A_84] : memref<32x2x40x128xi32, #tpu.memory_space<hbm>> -> memref<1x1x40x128xi32, #tpu.memory_space<hbm>>
      %dma_start3A_86 = tpu.memref_squeeze %dma_start3A_85 : memref<1x1x40x128xi32, #tpu.memory_space<hbm>> -> memref<40x128xi32, #tpu.memory_space<hbm>>
      %dma_start3A_87 = arith.constant 0 : i32
      %dma_start3A_88 = arith.constant 0 : i32
      %dma_start3A_89 = tpu.memref_slice %arg3[%add3A, %run_scoped3A_37, %dma_start3A_87, %dma_start3A_88] : memref<32x2x40x128xi32, #tpu.memory_space<hbm>> -> memref<1x1x40x128xi32, #tpu.memory_space<hbm>>
      %dma_start3A_90 = tpu.memref_squeeze %dma_start3A_89 : memref<1x1x40x128xi32, #tpu.memory_space<hbm>> -> memref<40x128xi32, #tpu.memory_space<hbm>>
      tpu.enqueue_dma source(%dma_start3A_90 : memref<40x128xi32, #tpu.memory_space<hbm>>) target(%arg7 : memref<40x128xi32, #tpu.memory_space<vmem>>) target_semaphore(%run_scoped3A_82 : memref<!tpu.dma_semaphore, #tpu.memory_space<semaphore_mem>>)
      %dma_wait3A_91 = arith.constant 0 : i32
      %dma_wait3A_92 = arith.constant 0 : i32
      %dma_wait3A_93 = tpu.memref_slice %arg3[%add3A, %run_scoped3A_37, %dma_wait3A_91, %dma_wait3A_92] : memref<32x2x40x128xi32, #tpu.memory_space<hbm>> -> memref<1x1x40x128xi32, #tpu.memory_space<hbm>>
      %dma_wait3A_94 = tpu.memref_squeeze %dma_wait3A_93 : memref<1x1x40x128xi32, #tpu.memory_space<hbm>> -> memref<40x128xi32, #tpu.memory_space<hbm>>
      %dma_wait3A_95 = arith.constant 0 : i32
      %dma_wait3A_96 = arith.constant 0 : i32
      %dma_wait3A_97 = tpu.memref_slice %arg3[%add3A, %run_scoped3A_37, %dma_wait3A_95, %dma_wait3A_96] : memref<32x2x40x128xi32, #tpu.memory_space<hbm>> -> memref<1x1x40x128xi32, #tpu.memory_space<hbm>>
      %dma_wait3A_98 = tpu.memref_squeeze %dma_wait3A_97 : memref<1x1x40x128xi32, #tpu.memory_space<hbm>> -> memref<40x128xi32, #tpu.memory_space<hbm>>
      tpu.wait_dma2 semaphore(%run_scoped3A_82 : memref<!tpu.dma_semaphore, #tpu.memory_space<semaphore_mem>>) src(%dma_wait3A_98 : memref<40x128xi32, #tpu.memory_space<hbm>>) dst(%arg7 : memref<40x128xi32, #tpu.memory_space<vmem>>)
      tpu.yield
    }) : () -> ()
    %run_scoped3A_38 = arith.constant 1 : i32
    "tpu.region"() ({
      %run_scoped3A_82 = tpu.sem_alloc : memref<!tpu.dma_semaphore, #tpu.memory_space<semaphore_mem>>
      %dma_start3A_83 = arith.constant 0 : i32
      %dma_start3A_84 = arith.constant 0 : i32
      %dma_start3A_85 = tpu.memref_slice %arg4[%add3A, %run_scoped3A_38, %dma_start3A_83, %dma_start3A_84] : memref<32x2x40x128xi32, #tpu.memory_space<hbm>> -> memref<1x1x40x128xi32, #tpu.memory_space<hbm>>
      %dma_start3A_86 = tpu.memref_squeeze %dma_start3A_85 : memref<1x1x40x128xi32, #tpu.memory_space<hbm>> -> memref<40x128xi32, #tpu.memory_space<hbm>>
      %dma_start3A_87 = arith.constant 0 : i32
      %dma_start3A_88 = arith.constant 0 : i32
      %dma_start3A_89 = tpu.memref_slice %arg4[%add3A, %run_scoped3A_38, %dma_start3A_87, %dma_start3A_88] : memref<32x2x40x128xi32, #tpu.memory_space<hbm>> -> memref<1x1x40x128xi32, #tpu.memory_space<hbm>>
      %dma_start3A_90 = tpu.memref_squeeze %dma_start3A_89 : memref<1x1x40x128xi32, #tpu.memory_space<hbm>> -> memref<40x128xi32, #tpu.memory_space<hbm>>
      tpu.enqueue_dma source(%dma_start3A_90 : memref<40x128xi32, #tpu.memory_space<hbm>>) target(%arg8 : memref<40x128xi32, #tpu.memory_space<vmem>>) target_semaphore(%run_scoped3A_82 : memref<!tpu.dma_semaphore, #tpu.memory_space<semaphore_mem>>)
      %dma_wait3A_91 = arith.constant 0 : i32
      %dma_wait3A_92 = arith.constant 0 : i32
      %dma_wait3A_93 = tpu.memref_slice %arg4[%add3A, %run_scoped3A_38, %dma_wait3A_91, %dma_wait3A_92] : memref<32x2x40x128xi32, #tpu.memory_space<hbm>> -> memref<1x1x40x128xi32, #tpu.memory_space<hbm>>
      %dma_wait3A_94 = tpu.memref_squeeze %dma_wait3A_93 : memref<1x1x40x128xi32, #tpu.memory_space<hbm>> -> memref<40x128xi32, #tpu.memory_space<hbm>>
      %dma_wait3A_95 = arith.constant 0 : i32
      %dma_wait3A_96 = arith.constant 0 : i32
      %dma_wait3A_97 = tpu.memref_slice %arg4[%add3A, %run_scoped3A_38, %dma_wait3A_95, %dma_wait3A_96] : memref<32x2x40x128xi32, #tpu.memory_space<hbm>> -> memref<1x1x40x128xi32, #tpu.memory_space<hbm>>
      %dma_wait3A_98 = tpu.memref_squeeze %dma_wait3A_97 : memref<1x1x40x128xi32, #tpu.memory_space<hbm>> -> memref<40x128xi32, #tpu.memory_space<hbm>>
      tpu.wait_dma2 semaphore(%run_scoped3A_82 : memref<!tpu.dma_semaphore, #tpu.memory_space<semaphore_mem>>) src(%dma_wait3A_98 : memref<40x128xi32, #tpu.memory_space<hbm>>) dst(%arg8 : memref<40x128xi32, #tpu.memory_space<vmem>>)
      tpu.yield
    }) : () -> ()
    %dma_start3A_39 = arith.constant 0 : i32
    %dma_start3A_40 = arith.constant 0 : i32
    %dma_start3A_41 = tpu.memref_slice %arg7[%dma_start3A_39, %dma_start3A_40] : memref<40x128xi32, #tpu.memory_space<vmem>> -> memref<1x128xi32, #tpu.memory_space<vmem>>
    %dma_start3A_42 = tpu.memref_squeeze %dma_start3A_41 : memref<1x128xi32, #tpu.memory_space<vmem>> -> memref<128xi32, #tpu.memory_space<vmem>>
    %dma_start3A_43 = arith.constant 0 : i32
    %dma_start3A_44 = arith.constant 0 : i32
    %dma_start3A_45 = tpu.memref_slice %arg2[%dma_start3A_43, %dma_start3A_44] : memref<10000x128xf32, #tpu.memory_space<hbm>> -> memref<10000x128xf32, #tpu.memory_space<hbm>>
    tpu.enqueue_indirect_dma source(%dma_start3A_45 : memref<10000x128xf32, #tpu.memory_space<hbm>>) target(%arg9 : memref<128x128xf32, #tpu.memory_space<vmem>>) offsets(%dma_start3A_42 : memref<128xi32, #tpu.memory_space<vmem>>) semaphore(%arg12 : memref<!tpu.dma_semaphore, #tpu.memory_space<semaphore_mem>>)
    %dma_start3A_46 = arith.constant 1 : i32
    %dma_start3A_47 = arith.constant 0 : i32
    %dma_start3A_48 = tpu.memref_slice %arg7[%dma_start3A_46, %dma_start3A_47] : memref<40x128xi32, #tpu.memory_space<vmem>> -> memref<1x128xi32, #tpu.memory_space<vmem>>
    %dma_start3A_49 = tpu.memref_squeeze %dma_start3A_48 : memref<1x128xi32, #tpu.memory_space<vmem>> -> memref<128xi32, #tpu.memory_space<vmem>>
    %dma_start3A_50 = arith.constant 0 : i32
    %dma_start3A_51 = arith.constant 0 : i32
    %dma_start3A_52 = tpu.memref_slice %arg2[%dma_start3A_50, %dma_start3A_51] : memref<10000x128xf32, #tpu.memory_space<hbm>> -> memref<10000x128xf32, #tpu.memory_space<hbm>>
    tpu.enqueue_indirect_dma source(%dma_start3A_52 : memref<10000x128xf32, #tpu.memory_space<hbm>>) target(%arg10 : memref<128x128xf32, #tpu.memory_space<vmem>>) offsets(%dma_start3A_49 : memref<128xi32, #tpu.memory_space<vmem>>) semaphore(%arg13 : memref<!tpu.dma_semaphore, #tpu.memory_space<semaphore_mem>>)
    %scan3A_53 = arith.constant 0 : i32
    %scan3A_54 = arith.constant 0 : i32
    %scan3A_55 = arith.constant 19 : i32
    %scan3A_56 = arith.addi %scan3A_54, %scan3A_55 : i32
    %scan3A_57 = arith.constant 1 : i32
    scf.for %scan3A_82 = %scan3A_54 to %scan3A_56 step %scan3A_57  : i32 {
      %mul3A_83 = arith.constant 2 : i32
      %mul3A_84 = arith.muli %mul3A_83, %scan3A_82 : i32
      %mul3A_85 = arith.constant 2 : i32
      %mul3A_86 = arith.muli %mul3A_85, %scan3A_82 : i32
      %add3A_87 = arith.constant 1 : i32
      %add3A_88 = arith.addi %mul3A_86, %add3A_87 : i32
      %dma_wait3A_89 = arith.constant 0 : i32
      %dma_wait3A_90 = tpu.memref_slice %arg7[%mul3A_84, %dma_wait3A_89] : memref<40x128xi32, #tpu.memory_space<vmem>> -> memref<1x128xi32, #tpu.memory_space<vmem>>
      %dma_wait3A_91 = tpu.memref_squeeze %dma_wait3A_90 : memref<1x128xi32, #tpu.memory_space<vmem>> -> memref<128xi32, #tpu.memory_space<vmem>>
      %dma_wait3A_92 = arith.constant 0 : i32
      %dma_wait3A_93 = arith.constant 0 : i32
      %dma_wait3A_94 = tpu.memref_slice %arg2[%dma_wait3A_92, %dma_wait3A_93] : memref<10000x128xf32, #tpu.memory_space<hbm>> -> memref<10000x128xf32, #tpu.memory_space<hbm>>
      tpu.wait_indirect_dma semaphore(%arg12 : memref<!tpu.dma_semaphore, #tpu.memory_space<semaphore_mem>>) src(%dma_wait3A_94 : memref<10000x128xf32, #tpu.memory_space<hbm>>) dst(%arg9 : memref<128x128xf32, #tpu.memory_space<vmem>>)
      "tpu.region"() ({
        %run_scoped3A_117 = tpu.sem_alloc : memref<!tpu.dma_semaphore, #tpu.memory_space<semaphore_mem>>
        %dma_start3A_118 = arith.constant 0 : i32
        %dma_start3A_119 = tpu.memref_slice %arg8[%mul3A_84, %dma_start3A_118] : memref<40x128xi32, #tpu.memory_space<vmem>> -> memref<1x128xi32, #tpu.memory_space<vmem>>
        %dma_start3A_120 = tpu.memref_squeeze %dma_start3A_119 : memref<1x128xi32, #tpu.memory_space<vmem>> -> memref<128xi32, #tpu.memory_space<vmem>>
        %dma_start3A_121 = arith.constant 0 : i32
        %dma_start3A_122 = arith.constant 0 : i32
        %dma_start3A_123 = tpu.memref_slice %arg11[%dma_start3A_121, %dma_start3A_122] : memref<10112x128xf32, #tpu.memory_space<vmem_shared>> -> memref<10112x128xf32, #tpu.memory_space<vmem_shared>>
        tpu.enqueue_indirect_dma source(%arg9 : memref<128x128xf32, #tpu.memory_space<vmem>>) target(%dma_start3A_123 : memref<10112x128xf32, #tpu.memory_space<vmem_shared>>) offsets(%dma_start3A_120 : memref<128xi32, #tpu.memory_space<vmem>>) semaphore(%run_scoped3A_117 : memref<!tpu.dma_semaphore, #tpu.memory_space<semaphore_mem>>) {add = true}
        %dma_wait3A_124 = arith.constant 0 : i32
        %dma_wait3A_125 = tpu.memref_slice %arg8[%mul3A_84, %dma_wait3A_124] : memref<40x128xi32, #tpu.memory_space<vmem>> -> memref<1x128xi32, #tpu.memory_space<vmem>>
        %dma_wait3A_126 = tpu.memref_squeeze %dma_wait3A_125 : memref<1x128xi32, #tpu.memory_space<vmem>> -> memref<128xi32, #tpu.memory_space<vmem>>
        %dma_wait3A_127 = arith.constant 0 : i32
        %dma_wait3A_128 = arith.constant 0 : i32
        %dma_wait3A_129 = tpu.memref_slice %arg11[%dma_wait3A_127, %dma_wait3A_128] : memref<10112x128xf32, #tpu.memory_space<vmem_shared>> -> memref<10112x128xf32, #tpu.memory_space<vmem_shared>>
        tpu.wait_indirect_dma semaphore(%run_scoped3A_117 : memref<!tpu.dma_semaphore, #tpu.memory_space<semaphore_mem>>) src(%arg9 : memref<128x128xf32, #tpu.memory_space<vmem>>) dst(%dma_wait3A_129 : memref<10112x128xf32, #tpu.memory_space<vmem_shared>>)
        tpu.yield
      }) : () -> ()
      %add3A_95 = arith.constant 2 : i32
      %add3A_96 = arith.addi %mul3A_84, %add3A_95 : i32
      %dma_start3A_97 = arith.constant 0 : i32
      %dma_start3A_98 = tpu.memref_slice %arg7[%add3A_96, %dma_start3A_97] : memref<40x128xi32, #tpu.memory_space<vmem>> -> memref<1x128xi32, #tpu.memory_space<vmem>>
      %dma_start3A_99 = tpu.memref_squeeze %dma_start3A_98 : memref<1x128xi32, #tpu.memory_space<vmem>> -> memref<128xi32, #tpu.memory_space<vmem>>
      %dma_start3A_100 = arith.constant 0 : i32
      %dma_start3A_101 = arith.constant 0 : i32
      %dma_start3A_102 = tpu.memref_slice %arg2[%dma_start3A_100, %dma_start3A_101] : memref<10000x128xf32, #tpu.memory_space<hbm>> -> memref<10000x128xf32, #tpu.memory_space<hbm>>
      tpu.enqueue_indirect_dma source(%dma_start3A_102 : memref<10000x128xf32, #tpu.memory_space<hbm>>) target(%arg9 : memref<128x128xf32, #tpu.memory_space<vmem>>) offsets(%dma_start3A_99 : memref<128xi32, #tpu.memory_space<vmem>>) semaphore(%arg12 : memref<!tpu.dma_semaphore, #tpu.memory_space<semaphore_mem>>)
      %dma_wait3A_103 = arith.constant 0 : i32
      %dma_wait3A_104 = tpu.memref_slice %arg7[%add3A_88, %dma_wait3A_103] : memref<40x128xi32, #tpu.memory_space<vmem>> -> memref<1x128xi32, #tpu.memory_space<vmem>>
      %dma_wait3A_105 = tpu.memref_squeeze %dma_wait3A_104 : memref<1x128xi32, #tpu.memory_space<vmem>> -> memref<128xi32, #tpu.memory_space<vmem>>
      %dma_wait3A_106 = arith.constant 0 : i32
      %dma_wait3A_107 = arith.constant 0 : i32
      %dma_wait3A_108 = tpu.memref_slice %arg2[%dma_wait3A_106, %dma_wait3A_107] : memref<10000x128xf32, #tpu.memory_space<hbm>> -> memref<10000x128xf32, #tpu.memory_space<hbm>>
      tpu.wait_indirect_dma semaphore(%arg13 : memref<!tpu.dma_semaphore, #tpu.memory_space<semaphore_mem>>) src(%dma_wait3A_108 : memref<10000x128xf32, #tpu.memory_space<hbm>>) dst(%arg10 : memref<128x128xf32, #tpu.memory_space<vmem>>)
      "tpu.region"() ({
        %run_scoped3A_117 = tpu.sem_alloc : memref<!tpu.dma_semaphore, #tpu.memory_space<semaphore_mem>>
        %dma_start3A_118 = arith.constant 0 : i32
        %dma_start3A_119 = tpu.memref_slice %arg8[%add3A_88, %dma_start3A_118] : memref<40x128xi32, #tpu.memory_space<vmem>> -> memref<1x128xi32, #tpu.memory_space<vmem>>
        %dma_start3A_120 = tpu.memref_squeeze %dma_start3A_119 : memref<1x128xi32, #tpu.memory_space<vmem>> -> memref<128xi32, #tpu.memory_space<vmem>>
        %dma_start3A_121 = arith.constant 0 : i32
        %dma_start3A_122 = arith.constant 0 : i32
        %dma_start3A_123 = tpu.memref_slice %arg11[%dma_start3A_121, %dma_start3A_122] : memref<10112x128xf32, #tpu.memory_space<vmem_shared>> -> memref<10112x128xf32, #tpu.memory_space<vmem_shared>>
        tpu.enqueue_indirect_dma source(%arg10 : memref<128x128xf32, #tpu.memory_space<vmem>>) target(%dma_start3A_123 : memref<10112x128xf32, #tpu.memory_space<vmem_shared>>) offsets(%dma_start3A_120 : memref<128xi32, #tpu.memory_space<vmem>>) semaphore(%run_scoped3A_117 : memref<!tpu.dma_semaphore, #tpu.memory_space<semaphore_mem>>) {add = true}
        %dma_wait3A_124 = arith.constant 0 : i32
        %dma_wait3A_125 = tpu.memref_slice %arg8[%add3A_88, %dma_wait3A_124] : memref<40x128xi32, #tpu.memory_space<vmem>> -> memref<1x128xi32, #tpu.memory_space<vmem>>
        %dma_wait3A_126 = tpu.memref_squeeze %dma_wait3A_125 : memref<1x128xi32, #tpu.memory_space<vmem>> -> memref<128xi32, #tpu.memory_space<vmem>>
        %dma_wait3A_127 = arith.constant 0 : i32
        %dma_wait3A_128 = arith.constant 0 : i32
        %dma_wait3A_129 = tpu.memref_slice %arg11[%dma_wait3A_127, %dma_wait3A_128] : memref<10112x128xf32, #tpu.memory_space<vmem_shared>> -> memref<10112x128xf32, #tpu.memory_space<vmem_shared>>
        tpu.wait_indirect_dma semaphore(%run_scoped3A_117 : memref<!tpu.dma_semaphore, #tpu.memory_space<semaphore_mem>>) src(%arg10 : memref<128x128xf32, #tpu.memory_space<vmem>>) dst(%dma_wait3A_129 : memref<10112x128xf32, #tpu.memory_space<vmem_shared>>)
        tpu.yield
      }) : () -> ()
      %add3A_109 = arith.constant 2 : i32
      %add3A_110 = arith.addi %add3A_88, %add3A_109 : i32
      %dma_start3A_111 = arith.constant 0 : i32
      %dma_start3A_112 = tpu.memref_slice %arg7[%add3A_110, %dma_start3A_111] : memref<40x128xi32, #tpu.memory_space<vmem>> -> memref<1x128xi32, #tpu.memory_space<vmem>>
      %dma_start3A_113 = tpu.memref_squeeze %dma_start3A_112 : memref<1x128xi32, #tpu.memory_space<vmem>> -> memref<128xi32, #tpu.memory_space<vmem>>
      %dma_start3A_114 = arith.constant 0 : i32
      %dma_start3A_115 = arith.constant 0 : i32
      %dma_start3A_116 = tpu.memref_slice %arg2[%dma_start3A_114, %dma_start3A_115] : memref<10000x128xf32, #tpu.memory_space<hbm>> -> memref<10000x128xf32, #tpu.memory_space<hbm>>
      tpu.enqueue_indirect_dma source(%dma_start3A_116 : memref<10000x128xf32, #tpu.memory_space<hbm>>) target(%arg10 : memref<128x128xf32, #tpu.memory_space<vmem>>) offsets(%dma_start3A_113 : memref<128xi32, #tpu.memory_space<vmem>>) semaphore(%arg13 : memref<!tpu.dma_semaphore, #tpu.memory_space<semaphore_mem>>)
    }
    %scan3A_58 = arith.constant 19 : i32
    %dma_wait3A_59 = arith.constant 38 : i32
    %dma_wait3A_60 = arith.constant 0 : i32
    %dma_wait3A_61 = tpu.memref_slice %arg7[%dma_wait3A_59, %dma_wait3A_60] : memref<40x128xi32, #tpu.memory_space<vmem>> -> memref<1x128xi32, #tpu.memory_space<vmem>>
    %dma_wait3A_62 = tpu.memref_squeeze %dma_wait3A_61 : memref<1x128xi32, #tpu.memory_space<vmem>> -> memref<128xi32, #tpu.memory_space<vmem>>
    %dma_wait3A_63 = arith.constant 0 : i32
    %dma_wait3A_64 = arith.constant 0 : i32
    %dma_wait3A_65 = tpu.memref_slice %arg2[%dma_wait3A_63, %dma_wait3A_64] : memref<10000x128xf32, #tpu.memory_space<hbm>> -> memref<10000x128xf32, #tpu.memory_space<hbm>>
    tpu.wait_indirect_dma semaphore(%arg12 : memref<!tpu.dma_semaphore, #tpu.memory_space<semaphore_mem>>) src(%dma_wait3A_65 : memref<10000x128xf32, #tpu.memory_space<hbm>>) dst(%arg9 : memref<128x128xf32, #tpu.memory_space<vmem>>)
    %run_scoped3A_66 = arith.constant 38 : i32
    "tpu.region"() ({
      %run_scoped3A_82 = tpu.sem_alloc : memref<!tpu.dma_semaphore, #tpu.memory_space<semaphore_mem>>
      %dma_start3A_83 = arith.constant 0 : i32
      %dma_start3A_84 = tpu.memref_slice %arg8[%run_scoped3A_66, %dma_start3A_83] : memref<40x128xi32, #tpu.memory_space<vmem>> -> memref<1x128xi32, #tpu.memory_space<vmem>>
      %dma_start3A_85 = tpu.memref_squeeze %dma_start3A_84 : memref<1x128xi32, #tpu.memory_space<vmem>> -> memref<128xi32, #tpu.memory_space<vmem>>
      %dma_start3A_86 = arith.constant 0 : i32
      %dma_start3A_87 = arith.constant 0 : i32
      %dma_start3A_88 = tpu.memref_slice %arg11[%dma_start3A_86, %dma_start3A_87] : memref<10112x128xf32, #tpu.memory_space<vmem_shared>> -> memref<10112x128xf32, #tpu.memory_space<vmem_shared>>
      tpu.enqueue_indirect_dma source(%arg9 : memref<128x128xf32, #tpu.memory_space<vmem>>) target(%dma_start3A_88 : memref<10112x128xf32, #tpu.memory_space<vmem_shared>>) offsets(%dma_start3A_85 : memref<128xi32, #tpu.memory_space<vmem>>) semaphore(%run_scoped3A_82 : memref<!tpu.dma_semaphore, #tpu.memory_space<semaphore_mem>>) {add = true}
      %dma_wait3A_89 = arith.constant 0 : i32
      %dma_wait3A_90 = tpu.memref_slice %arg8[%run_scoped3A_66, %dma_wait3A_89] : memref<40x128xi32, #tpu.memory_space<vmem>> -> memref<1x128xi32, #tpu.memory_space<vmem>>
      %dma_wait3A_91 = tpu.memref_squeeze %dma_wait3A_90 : memref<1x128xi32, #tpu.memory_space<vmem>> -> memref<128xi32, #tpu.memory_space<vmem>>
      %dma_wait3A_92 = arith.constant 0 : i32
      %dma_wait3A_93 = arith.constant 0 : i32
      %dma_wait3A_94 = tpu.memref_slice %arg11[%dma_wait3A_92, %dma_wait3A_93] : memref<10112x128xf32, #tpu.memory_space<vmem_shared>> -> memref<10112x128xf32, #tpu.memory_space<vmem_shared>>
      tpu.wait_indirect_dma semaphore(%run_scoped3A_82 : memref<!tpu.dma_semaphore, #tpu.memory_space<semaphore_mem>>) src(%arg9 : memref<128x128xf32, #tpu.memory_space<vmem>>) dst(%dma_wait3A_94 : memref<10112x128xf32, #tpu.memory_space<vmem_shared>>)
      tpu.yield
    }) : () -> ()
    %dma_wait3A_67 = arith.constant 39 : i32
    %dma_wait3A_68 = arith.constant 0 : i32
    %dma_wait3A_69 = tpu.memref_slice %arg7[%dma_wait3A_67, %dma_wait3A_68] : memref<40x128xi32, #tpu.memory_space<vmem>> -> memref<1x128xi32, #tpu.memory_space<vmem>>
    %dma_wait3A_70 = tpu.memref_squeeze %dma_wait3A_69 : memref<1x128xi32, #tpu.memory_space<vmem>> -> memref<128xi32, #tpu.memory_space<vmem>>
    %dma_wait3A_71 = arith.constant 0 : i32
    %dma_wait3A_72 = arith.constant 0 : i32
    %dma_wait3A_73 = tpu.memref_slice %arg2[%dma_wait3A_71, %dma_wait3A_72] : memref<10000x128xf32, #tpu.memory_space<hbm>> -> memref<10000x128xf32, #tpu.memory_space<hbm>>
    tpu.wait_indirect_dma semaphore(%arg13 : memref<!tpu.dma_semaphore, #tpu.memory_space<semaphore_mem>>) src(%dma_wait3A_73 : memref<10000x128xf32, #tpu.memory_space<hbm>>) dst(%arg10 : memref<128x128xf32, #tpu.memory_space<vmem>>)
    %run_scoped3A_74 = arith.constant 39 : i32
    "tpu.region"() ({
      %run_scoped3A_82 = tpu.sem_alloc : memref<!tpu.dma_semaphore, #tpu.memory_space<semaphore_mem>>
      %dma_start3A_83 = arith.constant 0 : i32
      %dma_start3A_84 = tpu.memref_slice %arg8[%run_scoped3A_74, %dma_start3A_83] : memref<40x128xi32, #tpu.memory_space<vmem>> -> memref<1x128xi32, #tpu.memory_space<vmem>>
      %dma_start3A_85 = tpu.memref_squeeze %dma_start3A_84 : memref<1x128xi32, #tpu.memory_space<vmem>> -> memref<128xi32, #tpu.memory_space<vmem>>
      %dma_start3A_86 = arith.constant 0 : i32
      %dma_start3A_87 = arith.constant 0 : i32
      %dma_start3A_88 = tpu.memref_slice %arg11[%dma_start3A_86, %dma_start3A_87] : memref<10112x128xf32, #tpu.memory_space<vmem_shared>> -> memref<10112x128xf32, #tpu.memory_space<vmem_shared>>
      tpu.enqueue_indirect_dma source(%arg10 : memref<128x128xf32, #tpu.memory_space<vmem>>) target(%dma_start3A_88 : memref<10112x128xf32, #tpu.memory_space<vmem_shared>>) offsets(%dma_start3A_85 : memref<128xi32, #tpu.memory_space<vmem>>) semaphore(%run_scoped3A_82 : memref<!tpu.dma_semaphore, #tpu.memory_space<semaphore_mem>>) {add = true}
      %dma_wait3A_89 = arith.constant 0 : i32
      %dma_wait3A_90 = tpu.memref_slice %arg8[%run_scoped3A_74, %dma_wait3A_89] : memref<40x128xi32, #tpu.memory_space<vmem>> -> memref<1x128xi32, #tpu.memory_space<vmem>>
      %dma_wait3A_91 = tpu.memref_squeeze %dma_wait3A_90 : memref<1x128xi32, #tpu.memory_space<vmem>> -> memref<128xi32, #tpu.memory_space<vmem>>
      %dma_wait3A_92 = arith.constant 0 : i32
      %dma_wait3A_93 = arith.constant 0 : i32
      %dma_wait3A_94 = tpu.memref_slice %arg11[%dma_wait3A_92, %dma_wait3A_93] : memref<10112x128xf32, #tpu.memory_space<vmem_shared>> -> memref<10112x128xf32, #tpu.memory_space<vmem_shared>>
      tpu.wait_indirect_dma semaphore(%run_scoped3A_82 : memref<!tpu.dma_semaphore, #tpu.memory_space<semaphore_mem>>) src(%arg10 : memref<128x128xf32, #tpu.memory_space<vmem>>) dst(%dma_wait3A_94 : memref<10112x128xf32, #tpu.memory_space<vmem_shared>>)
      tpu.yield
    }) : () -> ()
    %barrier3A_75 = arith.constant 0 : index
    tpu.barrier barrier_id(%barrier3A_75)
    %mul3A_76 = arith.constant 624 : i32
    %mul3A_77 = arith.muli %arg1, %mul3A_76 : i32
    %mul3A_78 = arith.constant 624 : i32
    %mul3A_79 = arith.muli %arg1, %mul3A_78 : i32
    "tpu.region"() ({
      %run_scoped3A_82 = tpu.sem_alloc : memref<!tpu.dma_semaphore, #tpu.memory_space<semaphore_mem>>
      %dma_start3A_83 = arith.constant 0 : i32
      %dma_start3A_84 = tpu.memref_slice %arg6[%arg0, %mul3A_79, %dma_start3A_83] : memref<2x10000x128xf32, #tpu.memory_space<hbm>> -> memref<1x624x128xf32, #tpu.memory_space<hbm>>
      %dma_start3A_85 = tpu.memref_squeeze %dma_start3A_84 : memref<1x624x128xf32, #tpu.memory_space<hbm>> -> memref<624x128xf32, #tpu.memory_space<hbm>>
      %dma_start3A_86 = arith.constant 0 : i32
      %dma_start3A_87 = tpu.memref_slice %arg11[%mul3A_77, %dma_start3A_86] : memref<10112x128xf32, #tpu.memory_space<vmem_shared>> -> memref<624x128xf32, #tpu.memory_space<vmem_shared>>
      tpu.enqueue_dma source(%dma_start3A_87 : memref<624x128xf32, #tpu.memory_space<vmem_shared>>) target(%dma_start3A_85 : memref<624x128xf32, #tpu.memory_space<hbm>>) target_semaphore(%run_scoped3A_82 : memref<!tpu.dma_semaphore, #tpu.memory_space<semaphore_mem>>)
      %dma_wait3A_88 = arith.constant 0 : i32
      %dma_wait3A_89 = tpu.memref_slice %arg6[%arg0, %mul3A_79, %dma_wait3A_88] : memref<2x10000x128xf32, #tpu.memory_space<hbm>> -> memref<1x624x128xf32, #tpu.memory_space<hbm>>
      %dma_wait3A_90 = tpu.memref_squeeze %dma_wait3A_89 : memref<1x624x128xf32, #tpu.memory_space<hbm>> -> memref<624x128xf32, #tpu.memory_space<hbm>>
      %dma_wait3A_91 = arith.constant 0 : i32
      %dma_wait3A_92 = tpu.memref_slice %arg11[%mul3A_77, %dma_wait3A_91] : memref<10112x128xf32, #tpu.memory_space<vmem_shared>> -> memref<624x128xf32, #tpu.memory_space<vmem_shared>>
      tpu.wait_dma2 semaphore(%run_scoped3A_82 : memref<!tpu.dma_semaphore, #tpu.memory_space<semaphore_mem>>) src(%dma_wait3A_92 : memref<624x128xf32, #tpu.memory_space<vmem_shared>>) dst(%dma_wait3A_90 : memref<624x128xf32, #tpu.memory_space<hbm>>)
      tpu.yield
    }) : () -> ()
    %eq3A = arith.constant 0 : i32
    %eq3A_80 = arith.cmpi eq, %arg1, %eq3A : i32
    %convert_element_type3A = arith.extui %eq3A_80 : i1 to i32
    %cond3A = arith.constant 0 : i32
    %cond3A_81 = arith.cmpi ne, %convert_element_type3A, %cond3A : i32
    scf.if %cond3A_81 {
      "tpu.region"() ({
        %run_scoped3A_82 = tpu.sem_alloc : memref<!tpu.dma_semaphore, #tpu.memory_space<semaphore_mem>>
        %dma_start3A_83 = arith.constant 9984 : i32
        %dma_start3A_84 = arith.constant 0 : i32
        %dma_start3A_85 = tpu.memref_slice %arg6[%arg0, %dma_start3A_83, %dma_start3A_84] : memref<2x10000x128xf32, #tpu.memory_space<hbm>> -> memref<1x16x128xf32, #tpu.memory_space<hbm>>
        %dma_start3A_86 = tpu.memref_squeeze %dma_start3A_85 : memref<1x16x128xf32, #tpu.memory_space<hbm>> -> memref<16x128xf32, #tpu.memory_space<hbm>>
        %dma_start3A_87 = arith.constant 9984 : i32
        %dma_start3A_88 = arith.constant 0 : i32
        %dma_start3A_89 = tpu.memref_slice %arg11[%dma_start3A_87, %dma_start3A_88] : memref<10112x128xf32, #tpu.memory_space<vmem_shared>> -> memref<16x128xf32, #tpu.memory_space<vmem_shared>>
        tpu.enqueue_dma source(%dma_start3A_89 : memref<16x128xf32, #tpu.memory_space<vmem_shared>>) target(%dma_start3A_86 : memref<16x128xf32, #tpu.memory_space<hbm>>) target_semaphore(%run_scoped3A_82 : memref<!tpu.dma_semaphore, #tpu.memory_space<semaphore_mem>>)
        %dma_wait3A_90 = arith.constant 9984 : i32
        %dma_wait3A_91 = arith.constant 0 : i32
        %dma_wait3A_92 = tpu.memref_slice %arg6[%arg0, %dma_wait3A_90, %dma_wait3A_91] : memref<2x10000x128xf32, #tpu.memory_space<hbm>> -> memref<1x16x128xf32, #tpu.memory_space<hbm>>
        %dma_wait3A_93 = tpu.memref_squeeze %dma_wait3A_92 : memref<1x16x128xf32, #tpu.memory_space<hbm>> -> memref<16x128xf32, #tpu.memory_space<hbm>>
        %dma_wait3A_94 = arith.constant 9984 : i32
        %dma_wait3A_95 = arith.constant 0 : i32
        %dma_wait3A_96 = tpu.memref_slice %arg11[%dma_wait3A_94, %dma_wait3A_95] : memref<10112x128xf32, #tpu.memory_space<vmem_shared>> -> memref<16x128xf32, #tpu.memory_space<vmem_shared>>
        tpu.wait_dma2 semaphore(%run_scoped3A_82 : memref<!tpu.dma_semaphore, #tpu.memory_space<semaphore_mem>>) src(%dma_wait3A_96 : memref<16x128xf32, #tpu.memory_space<vmem_shared>>) dst(%dma_wait3A_93 : memref<16x128xf32, #tpu.memory_space<hbm>>)
        tpu.yield
      }) : () -> ()
    } else {
    }
    return
  }
}

module attributes {stable_mosaic.version = 14 : i64} {
  func.func @body(%arg0: i32, %arg1: memref<2x1000x128xf32, #tpu.memory_space<vmem>>, %arg2: memref<128x192xf32, #tpu.memory_space<vmem>>, %arg3: memref<1x192xf32, #tpu.memory_space<vmem>>, %arg4: memref<64x256xf32, #tpu.memory_space<vmem>>, %arg5: memref<1x256xf32, #tpu.memory_space<vmem>>, %arg6: memref<256x128xf32, #tpu.memory_space<vmem>>, %arg7: memref<1x128xf32, #tpu.memory_space<vmem>>, %arg8: memref<128x256xf32, #tpu.memory_space<vmem>>, %arg9: memref<1x256xf32, #tpu.memory_space<vmem>>, %arg10: memref<256x64xf32, #tpu.memory_space<vmem>>, %arg11: memref<1x64xf32, #tpu.memory_space<vmem>>, %arg12: memref<1000x64xf32, #tpu.memory_space<vmem>>) attributes {dimension_semantics = [#tpu.dimension_semantics<arbitrary>], iteration_bounds = array<i64: 10>, scalar_prefetch = 0 : i64, scratch_operands = 0 : i64, tpu.core_type = #tpu.core_type<tc>, window_params = [{transform_indices = @transform_0, window_bounds = array<i64: 2, 1000, 128>}, {pipeline_mode = #tpu.pipeline_mode<synchronous>, transform_indices = @transform_1, window_bounds = array<i64: 128, 192>}, {pipeline_mode = #tpu.pipeline_mode<synchronous>, transform_indices = @transform_2, window_bounds = array<i64: 1, 192>}, {pipeline_mode = #tpu.pipeline_mode<synchronous>, transform_indices = @transform_3, window_bounds = array<i64: 64, 256>}, {pipeline_mode = #tpu.pipeline_mode<synchronous>, transform_indices = @transform_4, window_bounds = array<i64: 1, 256>}, {pipeline_mode = #tpu.pipeline_mode<synchronous>, transform_indices = @transform_5, window_bounds = array<i64: 256, 128>}, {pipeline_mode = #tpu.pipeline_mode<synchronous>, transform_indices = @transform_6, window_bounds = array<i64: 1, 128>}, {pipeline_mode = #tpu.pipeline_mode<synchronous>, transform_indices = @transform_7, window_bounds = array<i64: 128, 256>}, {pipeline_mode = #tpu.pipeline_mode<synchronous>, transform_indices = @transform_8, window_bounds = array<i64: 1, 256>}, {pipeline_mode = #tpu.pipeline_mode<synchronous>, transform_indices = @transform_9, window_bounds = array<i64: 256, 64>}, {pipeline_mode = #tpu.pipeline_mode<synchronous>, transform_indices = @transform_10, window_bounds = array<i64: 1, 64>}, {transform_indices = @transform_11, window_bounds = array<i64: 1000, 64>}]} {
    %get3A = arith.constant 0 : index
    %get3A_0 = arith.constant 0 : index
    %get3A_1 = arith.constant 0 : index
    %get3A_2 = vector.load %arg1[%get3A, %get3A_0, %get3A_1] : memref<2x1000x128xf32, #tpu.memory_space<vmem>>, vector<1x1000x128xf32>
    %get3A_3 = vector.shape_cast %get3A_2 : vector<1x1000x128xf32> to vector<1000x128xf32>
    %get3A_4 = arith.constant 1 : index
    %get3A_5 = arith.constant 0 : index
    %get3A_6 = arith.constant 0 : index
    %get3A_7 = vector.load %arg1[%get3A_4, %get3A_5, %get3A_6] : memref<2x1000x128xf32, #tpu.memory_space<vmem>>, vector<1x1000x128xf32>
    %get3A_8 = vector.shape_cast %get3A_7 : vector<1x1000x128xf32> to vector<1000x128xf32>
    %add3A = arith.addf %get3A_3, %get3A_8 : vector<1000x128xf32>
    %get3A_9 = arith.constant 0 : index
    %get3A_10 = arith.constant 0 : index
    %get3A_11 = vector.load %arg2[%get3A_9, %get3A_10] : memref<128x192xf32, #tpu.memory_space<vmem>>, vector<128x192xf32>
    %dot_general3A = arith.constant dense<0.000000e+00> : vector<1000x192xf32>
    %dot_general3A_12 = tpu.matmul %add3A, %get3A_11, %dot_general3A {dimension_numbers = #tpu.dot_dimension_numbers<[1], [0], [0], [1], [0, 0, 1, 1], [], []>, transpose_lhs_hint = false} : vector<1000x128xf32>, vector<128x192xf32>, vector<1000x192xf32> -> vector<1000x192xf32>
    %get3A_13 = arith.constant 0 : index
    %get3A_14 = arith.constant 0 : index
    %get3A_15 = vector.load %arg3[%get3A_13, %get3A_14] : memref<1x192xf32, #tpu.memory_space<vmem>>, vector<1x192xf32>
    %add3A_16 = vector.broadcast %get3A_15 : vector<1x192xf32> to vector<1000x192xf32>
    %add3A_17 = arith.addf %dot_general3A_12, %add3A_16 : vector<1000x192xf32>
    %slice3A = vector.extract_strided_slice %add3A_17 {offsets = [0, 0], sizes = [1000, 64], strides = [1, 1]} : vector<1000x192xf32> to vector<1000x64xf32>
    %logistic3A = arith.negf %slice3A : vector<1000x64xf32>
    %logistic3A_18 = math.exp %logistic3A : vector<1000x64xf32>
    %logistic3A_19 = arith.constant 1.000000e+00 : f32
    %logistic3A_20 = vector.broadcast %logistic3A_19 : f32 to vector<1000x64xf32>
    %logistic3A_21 = arith.addf %logistic3A_20, %logistic3A_18 : vector<1000x64xf32>
    %logistic3A_22 = arith.divf %logistic3A_20, %logistic3A_21 : vector<1000x64xf32>
    %slice3A_23 = vector.extract_strided_slice %add3A_17 {offsets = [0, 64], sizes = [1000, 64], strides = [1, 1]} : vector<1000x192xf32> to vector<1000x64xf32>
    %tanh3A = math.tanh %slice3A_23 : vector<1000x64xf32>
    %slice3A_24 = vector.extract_strided_slice %add3A_17 {offsets = [0, 128], sizes = [1000, 64], strides = [1, 1]} : vector<1000x192xf32> to vector<1000x64xf32>
    %logistic3A_25 = arith.negf %slice3A_24 : vector<1000x64xf32>
    %logistic3A_26 = math.exp %logistic3A_25 : vector<1000x64xf32>
    %logistic3A_27 = arith.constant 1.000000e+00 : f32
    %logistic3A_28 = vector.broadcast %logistic3A_27 : f32 to vector<1000x64xf32>
    %logistic3A_29 = arith.addf %logistic3A_28, %logistic3A_26 : vector<1000x64xf32>
    %logistic3A_30 = arith.divf %logistic3A_28, %logistic3A_29 : vector<1000x64xf32>
    %mul3A = arith.mulf %logistic3A_22, %tanh3A : vector<1000x64xf32>
    %tanh3A_31 = math.tanh %mul3A : vector<1000x64xf32>
    %mul3A_32 = arith.mulf %logistic3A_30, %tanh3A_31 : vector<1000x64xf32>
    %max3A = arith.constant 0.000000e+00 : f32
    %max3A_33 = vector.broadcast %max3A : f32 to vector<1000x64xf32>
    %max3A_34 = arith.maximumf %mul3A_32, %max3A_33 : vector<1000x64xf32>
    %get3A_35 = arith.constant 0 : index
    %get3A_36 = arith.constant 0 : index
    %get3A_37 = vector.load %arg4[%get3A_35, %get3A_36] : memref<64x256xf32, #tpu.memory_space<vmem>>, vector<64x256xf32>
    %dot_general3A_38 = arith.constant dense<0.000000e+00> : vector<1000x256xf32>
    %dot_general3A_39 = tpu.matmul %max3A_34, %get3A_37, %dot_general3A_38 {dimension_numbers = #tpu.dot_dimension_numbers<[1], [0], [0], [1], [0, 0, 1, 1], [], []>, transpose_lhs_hint = false} : vector<1000x64xf32>, vector<64x256xf32>, vector<1000x256xf32> -> vector<1000x256xf32>
    %get3A_40 = arith.constant 0 : index
    %get3A_41 = arith.constant 0 : index
    %get3A_42 = vector.load %arg5[%get3A_40, %get3A_41] : memref<1x256xf32, #tpu.memory_space<vmem>>, vector<1x256xf32>
    %add3A_43 = vector.broadcast %get3A_42 : vector<1x256xf32> to vector<1000x256xf32>
    %add3A_44 = arith.addf %dot_general3A_39, %add3A_43 : vector<1000x256xf32>
    %gt3A = arith.constant 0.000000e+00 : f32
    %gt3A_45 = vector.broadcast %gt3A : f32 to vector<1000x256xf32>
    %gt3A_46 = arith.cmpf ogt, %add3A_44, %gt3A_45 : vector<1000x256xf32>
    %exp3A = math.exp %add3A_44 : vector<1000x256xf32>
    %sub3A = arith.constant 1.000000e+00 : f32
    %sub3A_47 = vector.broadcast %sub3A : f32 to vector<1000x256xf32>
    %sub3A_48 = arith.subf %exp3A, %sub3A_47 : vector<1000x256xf32>
    %select_n3A = arith.select %gt3A_46, %add3A_44, %sub3A_48 : vector<1000x256xi1>, vector<1000x256xf32>
    %get3A_49 = arith.constant 0 : index
    %get3A_50 = arith.constant 0 : index
    %get3A_51 = vector.load %arg6[%get3A_49, %get3A_50] : memref<256x128xf32, #tpu.memory_space<vmem>>, vector<256x128xf32>
    %dot_general3A_52 = arith.constant dense<0.000000e+00> : vector<1000x128xf32>
    %dot_general3A_53 = tpu.matmul %select_n3A, %get3A_51, %dot_general3A_52 {dimension_numbers = #tpu.dot_dimension_numbers<[1], [0], [0], [1], [0, 0, 1, 1], [], []>, transpose_lhs_hint = false} : vector<1000x256xf32>, vector<256x128xf32>, vector<1000x128xf32> -> vector<1000x128xf32>
    %get3A_54 = arith.constant 0 : index
    %get3A_55 = arith.constant 0 : index
    %get3A_56 = vector.load %arg7[%get3A_54, %get3A_55] : memref<1x128xf32, #tpu.memory_space<vmem>>, vector<1x128xf32>
    %add3A_57 = vector.broadcast %get3A_56 : vector<1x128xf32> to vector<1000x128xf32>
    %add3A_58 = arith.addf %dot_general3A_53, %add3A_57 : vector<1000x128xf32>
    %gt3A_59 = arith.constant 0.000000e+00 : f32
    %gt3A_60 = vector.broadcast %gt3A_59 : f32 to vector<1000x128xf32>
    %gt3A_61 = arith.cmpf ogt, %add3A_58, %gt3A_60 : vector<1000x128xf32>
    %exp3A_62 = math.exp %add3A_58 : vector<1000x128xf32>
    %sub3A_63 = arith.constant 1.000000e+00 : f32
    %sub3A_64 = vector.broadcast %sub3A_63 : f32 to vector<1000x128xf32>
    %sub3A_65 = arith.subf %exp3A_62, %sub3A_64 : vector<1000x128xf32>
    %select_n3A_66 = arith.select %gt3A_61, %add3A_58, %sub3A_65 : vector<1000x128xi1>, vector<1000x128xf32>
    %get3A_67 = arith.constant 0 : index
    %get3A_68 = arith.constant 0 : index
    %get3A_69 = vector.load %arg8[%get3A_67, %get3A_68] : memref<128x256xf32, #tpu.memory_space<vmem>>, vector<128x256xf32>
    %dot_general3A_70 = arith.constant dense<0.000000e+00> : vector<1000x256xf32>
    %dot_general3A_71 = tpu.matmul %select_n3A_66, %get3A_69, %dot_general3A_70 {dimension_numbers = #tpu.dot_dimension_numbers<[1], [0], [0], [1], [0, 0, 1, 1], [], []>, transpose_lhs_hint = false} : vector<1000x128xf32>, vector<128x256xf32>, vector<1000x256xf32> -> vector<1000x256xf32>
    %get3A_72 = arith.constant 0 : index
    %get3A_73 = arith.constant 0 : index
    %get3A_74 = vector.load %arg9[%get3A_72, %get3A_73] : memref<1x256xf32, #tpu.memory_space<vmem>>, vector<1x256xf32>
    %add3A_75 = vector.broadcast %get3A_74 : vector<1x256xf32> to vector<1000x256xf32>
    %add3A_76 = arith.addf %dot_general3A_71, %add3A_75 : vector<1000x256xf32>
    %gt3A_77 = arith.constant 0.000000e+00 : f32
    %gt3A_78 = vector.broadcast %gt3A_77 : f32 to vector<1000x256xf32>
    %gt3A_79 = arith.cmpf ogt, %add3A_76, %gt3A_78 : vector<1000x256xf32>
    %exp3A_80 = math.exp %add3A_76 : vector<1000x256xf32>
    %sub3A_81 = arith.constant 1.000000e+00 : f32
    %sub3A_82 = vector.broadcast %sub3A_81 : f32 to vector<1000x256xf32>
    %sub3A_83 = arith.subf %exp3A_80, %sub3A_82 : vector<1000x256xf32>
    %select_n3A_84 = arith.select %gt3A_79, %add3A_76, %sub3A_83 : vector<1000x256xi1>, vector<1000x256xf32>
    %get3A_85 = arith.constant 0 : index
    %get3A_86 = arith.constant 0 : index
    %get3A_87 = vector.load %arg10[%get3A_85, %get3A_86] : memref<256x64xf32, #tpu.memory_space<vmem>>, vector<256x64xf32>
    %dot_general3A_88 = arith.constant dense<0.000000e+00> : vector<1000x64xf32>
    %dot_general3A_89 = tpu.matmul %select_n3A_84, %get3A_87, %dot_general3A_88 {dimension_numbers = #tpu.dot_dimension_numbers<[1], [0], [0], [1], [0, 0, 1, 1], [], []>, transpose_lhs_hint = false} : vector<1000x256xf32>, vector<256x64xf32>, vector<1000x64xf32> -> vector<1000x64xf32>
    %get3A_90 = arith.constant 0 : index
    %get3A_91 = arith.constant 0 : index
    %get3A_92 = vector.load %arg11[%get3A_90, %get3A_91] : memref<1x64xf32, #tpu.memory_space<vmem>>, vector<1x64xf32>
    %add3A_93 = vector.broadcast %get3A_92 : vector<1x64xf32> to vector<1000x64xf32>
    %add3A_94 = arith.addf %dot_general3A_89, %add3A_93 : vector<1000x64xf32>
    %gt3A_95 = arith.constant 0.000000e+00 : f32
    %gt3A_96 = vector.broadcast %gt3A_95 : f32 to vector<1000x64xf32>
    %gt3A_97 = arith.cmpf ogt, %add3A_94, %gt3A_96 : vector<1000x64xf32>
    %exp3A_98 = math.exp %add3A_94 : vector<1000x64xf32>
    %sub3A_99 = arith.constant 1.000000e+00 : f32
    %sub3A_100 = vector.broadcast %sub3A_99 : f32 to vector<1000x64xf32>
    %sub3A_101 = arith.subf %exp3A_98, %sub3A_100 : vector<1000x64xf32>
    %select_n3A_102 = arith.select %gt3A_97, %add3A_94, %sub3A_101 : vector<1000x64xi1>, vector<1000x64xf32>
    %swap3A = arith.constant 0 : index
    %swap3A_103 = arith.constant 0 : index
    %swap3A_104 = vector.load %arg12[%swap3A, %swap3A_103] : memref<1000x64xf32, #tpu.memory_space<vmem>>, vector<1000x64xf32>
    tpu.vector_store %arg12[%swap3A, %swap3A_103], %select_n3A_102 {strides = array<i32>} : memref<1000x64xf32, #tpu.memory_space<vmem>>, vector<1000x64xf32>,
    return
  }
  func.func @transform_0(%arg0: i32) -> (i32, i32, i32) {
    %c0_i32 = arith.constant 0 : i32
    %c0_i32_0 = arith.constant 0 : i32
    %c0_i32_1 = arith.constant 0 : i32
    return %c0_i32, %arg0, %c0_i32_0 : i32, i32, i32
  }
  func.func @transform_1(%arg0: i32) -> (i32, i32) {
    %c0_i32 = arith.constant 0 : i32
    %c0_i32_0 = arith.constant 0 : i32
    %c0_i32_1 = arith.constant 0 : i32
    return %c0_i32, %c0_i32_0 : i32, i32
  }
  func.func @transform_2(%arg0: i32) -> (i32, i32) {
    %c0_i32 = arith.constant 0 : i32
    %c0_i32_0 = arith.constant 0 : i32
    %c0_i32_1 = arith.constant 0 : i32
    return %c0_i32, %c0_i32_0 : i32, i32
  }
  func.func @transform_3(%arg0: i32) -> (i32, i32) {
    %c0_i32 = arith.constant 0 : i32
    %c0_i32_0 = arith.constant 0 : i32
    %c0_i32_1 = arith.constant 0 : i32
    return %c0_i32, %c0_i32_0 : i32, i32
  }
  func.func @transform_4(%arg0: i32) -> (i32, i32) {
    %c0_i32 = arith.constant 0 : i32
    %c0_i32_0 = arith.constant 0 : i32
    %c0_i32_1 = arith.constant 0 : i32
    return %c0_i32, %c0_i32_0 : i32, i32
  }
  func.func @transform_5(%arg0: i32) -> (i32, i32) {
    %c0_i32 = arith.constant 0 : i32
    %c0_i32_0 = arith.constant 0 : i32
    %c0_i32_1 = arith.constant 0 : i32
    return %c0_i32, %c0_i32_0 : i32, i32
  }
  func.func @transform_6(%arg0: i32) -> (i32, i32) {
    %c0_i32 = arith.constant 0 : i32
    %c0_i32_0 = arith.constant 0 : i32
    %c0_i32_1 = arith.constant 0 : i32
    return %c0_i32, %c0_i32_0 : i32, i32
  }
  func.func @transform_7(%arg0: i32) -> (i32, i32) {
    %c0_i32 = arith.constant 0 : i32
    %c0_i32_0 = arith.constant 0 : i32
    %c0_i32_1 = arith.constant 0 : i32
    return %c0_i32, %c0_i32_0 : i32, i32
  }
  func.func @transform_8(%arg0: i32) -> (i32, i32) {
    %c0_i32 = arith.constant 0 : i32
    %c0_i32_0 = arith.constant 0 : i32
    %c0_i32_1 = arith.constant 0 : i32
    return %c0_i32, %c0_i32_0 : i32, i32
  }
  func.func @transform_9(%arg0: i32) -> (i32, i32) {
    %c0_i32 = arith.constant 0 : i32
    %c0_i32_0 = arith.constant 0 : i32
    %c0_i32_1 = arith.constant 0 : i32
    return %c0_i32, %c0_i32_0 : i32, i32
  }
  func.func @transform_10(%arg0: i32) -> (i32, i32) {
    %c0_i32 = arith.constant 0 : i32
    %c0_i32_0 = arith.constant 0 : i32
    %c0_i32_1 = arith.constant 0 : i32
    return %c0_i32, %c0_i32_0 : i32, i32
  }
  func.func @transform_11(%arg0: i32) -> (i32, i32) {
    %c0_i32 = arith.constant 0 : i32
    %c0_i32_0 = arith.constant 0 : i32
    return %arg0, %c0_i32 : i32, i32
  }
}

</mosaic_0001>

<sc_bundles>
// kernel: kernel.4.cloned.1.call-start
scs
__scs_entry_jumppad:
0x0: {  	(pc) =	sbr.rel $0x88, $3  }
0x1: {  	(tag) =	ssettag $0x0;
	lr =	simm.s32 $0x1  }
0x2: {  	[smem:$0x3F94] =	sst lr;
	_ =	strace $0xD0000000  }
0x3: {  	_ = 	snop  }
0x4: {  	_ = 	snop  }
0x5: {  	_ = 	snop  }
0x6: {  	_ = 	snop  }
0x7: {  	_ = 	snop  }
__scs_overlays_trampoline_lowered:
0x8: {  	[smem:$0x3FA3] =	sst s0  }
0x9: {  	[smem:$0x3FA4] =	sst s1  }
0xa: {  	[smem:$0x3FA5] =	sst s2  }
0xb: {  	[smem:$0x3FA6] =	sst s3  }
0xc: {  	[smem:$0x3FA7] =	sst s4  }
0xd: {  	[smem:$0x3FA8] =	sst s5  }
0xe: {  	[smem:$0x3FA9] =	sst s6  }
0xf: {  	[smem:$0x3FAA] =	sst s7  }
0x10: {  	[smem:$0x3FAB] =	sst s8  }
0x11: {  	[smem:$0x3FAC] =	sst s9;
	s0 =	simm.s32 @!p0 $0x0  }
0x12: {  	s1 =	sld [smem:$0x3F92];
	s0 =	simm.s32 @p0 $0x1  }
0x13: {  	[smem:$0x3FAD] =	sst s0;
	s0 =	simm.s32 @!p1 $0x0  }
0x14: {  	s2 =	sld [smem:$0x3F91];
	s0 =	simm.s32 @p1 $0x1  }
0x15: {  	[smem:$0x3FAE] =	sst s0;
	s0 =	simm.s32 @!p2 $0x0  }
0x16: {  	s3 =	sld [smem:$0x3FDB];
	s0 =	simm.s32 @p2 $0x1  }
0x17: {  	s4 =	simm.s32 $0x1BF5;
	[smem:$0x3FB0] =	sst s0  }
0x18: {  	s0 =	sld [smem:$0x3F93];
	_ =	swait.ge [sflag:s4], $0x0  }
0x19: {  	s7 =	sld [smem:$0x3F94]  }
0x1a: {  	s8 =	sadd.s32 $0xFFFFE003, lr  }
0x1b: {  	s9 =	sadd.s32 $0xFFFFFEF7, lr;
	s5 =	simm.s32 $0xFFFFFFFF;
	p2 =	slt.u32 s8, $0xFFFFF086  }
0x1c: {  	p1 =	slt.u32 s9, $0xF7A;
	s5 =	simm.s32 @!p2 $0x0  }
0x1d: {  	s5 =	simm.s32 @p1 $0x1;
	p0 =	seq.s32 s7, s2  }
0x1e: {  	s7 =	smul.u32 @!p0 $0xF7A, s2;
	p2 =	seq.s32 @!p0 s5, $0x0  }
0x1f: {  	s9 =	smul.u32 $0xF7A, s1;
	s8 =	simm.s32 @!p0 $0x1BF5;
	p2 =	por !p2, p0  }
0x20: {  	[sflag:s8] =	ssyncset.s32 @!p0 $0xFFFFF086;
	s6 =	sadd.s32 @!p0 s3, s7;
	s7 =	simm.s32 @!p0 $0x108  }
0x21: {  	s3 =	sadd.s32 s3, s9;
	s6 =	sadd.s32 @!p0 $0x88, s6;
	s7 =	simm.s32 @p2 $0x1082  }
0x22: {  	[simem:s7], [sflag:s8] =	dma.local @!p0 [hbm:s6], $0xF7A  }
0x23: {  	s9 =	sor.u32 $0xD0000000, s2;
	s6 =	simm.s32 $0x108;
	_ =	swait.ge @!p0 [sflag:s8], $0x0  }
0x24: {  	s3 =	sadd.s32 $0x88, s3;
	s6 =	simm.s32 @!p1 $0x1082;
	[sflag:s4] =	ssyncset.s32 $0xFFFFF086  }
0x25: {  	[simem:s6], [sflag:s4] =	dma.local [hbm:s3], $0xF7A  }
0x26: {  	[smem:$0x3F94] =	sst s1;
	(tag) =	ssettag s2;
	_ =	strace s9  }
0x27: {  	s1 =	sld [smem:$0x3FA4]  }
0x28: {  	s2 =	sld [smem:$0x3FA5]  }
0x29: {  	s4 =	sld [smem:$0x3FA7]  }
0x2a: {  	p0 =	seq.s32 s5, $0x0;
	s5 =	sld [smem:$0x3FA8]  }
0x2b: {  	s6 =	sld [smem:$0x3FA9]  }
0x2c: {  	s7 =	sld [smem:$0x3FAA]  }
0x2d: {  	s3 =	simm.s32 $0x108;
	s8 =	sld [smem:$0x3FAB]  }
0x2e: {  	s3 =	simm.s32 @!p0 $0x1082;
	s9 =	sld [smem:$0x3FAC]  }
0x2f: {  	lr =	sadd.s32 s0, s3;
	s0 =	sld [smem:$0x3FA3]  }
0x30: {  	s3 =	sld [smem:$0x3FA6]  }
0x31: {  	[smem:$0x3FAF] =	sst s10  }
0x32: {  	s10 =	sld [smem:$0x3FAD];
	_ =	sdelay $0x3  }
0x33: {  	p0 =	seq.s32 s10, $0x1;
	s10 =	sld [smem:$0x3FAF];
	_ =	sdelay $0x3  }
0x34: {  	[smem:$0x3FAF] =	sst s10  }
0x35: {  	s10 =	sld [smem:$0x3FAE];
	_ =	sdelay $0x3  }
0x36: {  	p1 =	seq.s32 s10, $0x1;
	s10 =	sld [smem:$0x3FAF];
	_ =	sdelay $0x3  }
0x37: {  	[smem:$0x3FAF] =	sst s10  }
0x38: {  	s10 =	sld [smem:$0x3FB0]  }
0x39: {  	_ = 	snop;
	(pc) =	sbr.ind lr, $3  }
0x3a: {  	_ = 	snop  }
0x3b: {  	_ = 	snop  }
0x3c: {  	p2 =	seq.s32 s10, $0x1;
	s10 =	sld [smem:$0x3FAF]  }
0x3d: {  	_ =	shalt  }
0x3e: {  	_ =	shalt  }
0x3f: {  	_ =	shalt  }
0x40: {  	_ =	shalt  }
0x41: {  	_ =	shalt  }
0x42: {  	_ =	shalt  }
0x43: {  	_ =	shalt  }
0x44: {  	_ =	shalt  }
0x45: {  	_ =	shalt  }
0x46: {  	_ =	shalt  }
0x47: {  	_ =	shalt  }
0x48: {  	_ =	shalt  }
0x49: {  	_ =	shalt  }
0x4a: {  	_ =	shalt  }
0x4b: {  	_ =	shalt  }
0x4c: {  	_ =	shalt  }
0x4d: {  	_ =	shalt  }
0x4e: {  	_ =	shalt  }
0x4f: {  	_ =	shalt  }
0x50: {  	_ =	shalt  }
0x51: {  	_ =	shalt  }
0x52: {  	_ =	shalt  }
0x53: {  	_ =	shalt  }
0x54: {  	_ =	shalt  }
0x55: {  	_ =	shalt  }
0x56: {  	_ =	shalt  }
0x57: {  	_ =	shalt  }
0x58: {  	_ =	shalt  }
0x59: {  	_ =	shalt  }
0x5a: {  	_ =	shalt  }
0x5b: {  	_ =	shalt  }
0x5c: {  	_ =	shalt  }
0x5d: {  	_ =	shalt  }
0x5e: {  	_ =	shalt  }
0x5f: {  	_ =	shalt  }
0x60: {  	_ =	shalt  }
0x61: {  	_ =	shalt  }
0x62: {  	_ =	shalt  }
0x63: {  	_ =	shalt  }
0x64: {  	_ =	shalt  }
0x65: {  	_ =	shalt  }
0x66: {  	_ =	shalt  }
0x67: {  	_ =	shalt  }
0x68: {  	_ =	shalt  }
0x69: {  	_ =	shalt  }
0x6a: {  	_ =	shalt  }
0x6b: {  	_ =	shalt  }
0x6c: {  	_ =	shalt  }
0x6d: {  	_ =	shalt  }
0x6e: {  	_ =	shalt  }
0x6f: {  	_ =	shalt  }
0x70: {  	_ =	shalt  }
0x71: {  	_ =	shalt  }
0x72: {  	_ =	shalt  }
0x73: {  	_ =	shalt  }
0x74: {  	_ =	shalt  }
0x75: {  	_ =	shalt  }
0x76: {  	_ =	shalt  }
0x77: {  	_ =	shalt  }
0x78: {  	_ =	shalt  }
0x79: {  	_ =	shalt  }
0x7a: {  	_ =	shalt  }
0x7b: {  	_ =	shalt  }
0x7c: {  	_ =	shalt  }
0x7d: {  	_ =	shalt  }
0x7e: {  	_ =	shalt  }
0x7f: {  	_ =	shalt  }
0x80: {  	_ =	shalt  }
0x81: {  	_ =	shalt  }
0x82: {  	_ =	shalt  }
0x83: {  	_ =	shalt  }
0x84: {  	_ =	shalt  }
0x85: {  	_ =	shalt  }
0x86: {  	_ =	shalt  }
0x87: {  	_ =	shalt  }
.Lfunc_end0:
.L_simem_size_0:
called_computation_lowered:
.L_overlay_start_0:
0x88: {  	s2 =	sld [smem:$0x3FD9]  }
0x89: {  	s3 =	sld [smem:$0x3FFE];
	_ =	sdelay $0x1  }
0x8a: {  	s1 =	srdreg.scid  }
0x8b: {  	s0 =	sand.u32 $0x1, s1  }
0x8c: {  	s17 =	sshll.u32 s0, $0xA;
	s2 =	sadd.s32 s3, s2  }
0x8d: {  	s2 =	sadd.s32 s2, s17  }
0x8e: {  	[smem:$0x3FBB] =	sst s2  }
0x8f: {  	_ = 	snop  }
0x90: {  	s2 =	sld [smem:$0x3FC9]  }
0x91: {  	s18 =	sld [smem:$0x3FD0];
	(tm) =	ssettm $0x1  }
0x92: {  	s4 =	sld [smem:$0x3FFB];
	_ =	sdelay $0x3  }
0x93: {  	_ =	strace s4  }
0x94: {  	s4 =	sld [smem:$0x3FFC];
	_ =	sdelay $0x3  }
0x95: {  	_ =	strace s4  }
0x96: {  	s4 =	sld [smem:$0x3FFD];
	_ =	sdelay $0x3  }
0x97: {  	_ =	strace s4  }
0x98: {  	_ =	strace $0x8FFFFFFF  }
0x99: {  	s19 =	sld [smem:$0x3FDB];
	_ =	sdelay $0x1  }
0x9a: {  	s5 =	simm.s32 $_scs_section_size  }
0x9b: {  	s6 =	simm.s32 $_size__tile_overlayer_lowered;
	s7 =	simm.s32 $_tile_overlayer_lowered  }
0x9c: {  	s22 =	simm.s32 $0x1BFF;
	s21 =	sshll.u32 s7, $0x1;
	s4 =	sadd.s32 s5, s19  }
0x9d: {  	s8 =	simm.s32 $0x0;
	s20 =	sshll.u32 s6, $0x1;
	s6 =	sadd.s32 s21, s4  }
0x9e: {  	[timem:s8], [sflag:s22] =	dma.local [hbm:s6], s20  }
0x9f: {  	_ =	swait.ge [sflag:s22], s20  }
0xa0: {  	s5 =	ssub.s32 $0x0, s20;
	[sflag:s22] =	ssyncset.done $0x0  }
0xa1: {  	[sflag:s22] =	ssyncadd.s32 s5;
	_ =	sdelay $0x1  }
0xa2: {  	s23 =	simm.s32 $0x1B8B  }
0xa3: {  	_ =	swait.ge [sflag:s23], $0x1  }
0xa4: {  	[sflag:s23] =	ssyncset.done $0x0  }
0xa5: {  	s25 =	simm.s32 $0x1B8E;
	s24 =	sld [smem:$0x3FFE];
	[sflag:s23] =	ssyncadd.s32 $0xFFFFFFFF  }
0xa6: {  	s26 =	simm.s32 $execute0_lowered;
	[smem:$0x3FD2] =	sst s25  }
0xa7: {  	s6 =	sshll.u32 s26, $0x1;
	_ =	strace $0x80000046;
	[dreg:$0x1] =	wrdreg $0xFFFFFFFF  }
0xa8: {  	s28 =	simm.s32 $_size_execute0_lowered;
	s4 =	sadd.s32 s4, s6;
	[dreg:$0x0] =	wrdreg $0x0  }
0xa9: {  	s6 =	sshll.u32 s28, $0x1;
	[dreg:$0x2] =	wrdreg s4  }
0xaa: {  	[dreg:$0x3] =	wrdreg s6  }
0xab: {  	[dreg:$0x4] =	wrdreg $0xC0  }
0xac: {  	_ =	task [dreg:s8], $0x5FFFF  }
0xad: {  	[dreg:$0x1] =	wrdreg $0xFFFFFFFF  }
0xae: {  	[dreg:$0x0] =	wrdreg $0x60  }
0xaf: {  	[dreg:$0x2] =	wrdreg s2  }
0xb0: {  	[dreg:$0x3] =	wrdreg s18  }
0xb1: {  	[dreg:$0x4] =	wrdreg s24  }
0xb2: {  	[dreg:$0x5] =	wrdreg $0xA8000  }
0xb3: {  	[dreg:$0x6] =	wrdreg $0x9  }
0xb4: {  	_ =	task.clear_ibuf [dreg:s8], $0x7FFFF;
	_ =	strace $0x90000046  }
0xb5: {  	s29 =	simm.s32 $0x9;
	_ =	strace $0x80000048  }
0xb6: {  	_ =	swait.ge [sflag:s29], $0x1  }
0xb7: {  	[sflag:s29] =	ssyncadd.s32 $0xFFFFFFFF  }
0xb8: {  	_ =	strace $0x90000048  }
0xb9: {  	_ =	sfence  }
0xba: {  	s30 =	sld [smem:$0x0];
	_ =	sdelay $0x2  }
0xbb: {  	s31 =	sshll.u32 s1, $0xD;
	s1 =	sshrl.u32 s1, $0x2  }
0xbc: {  	s3 =	sand.u32 $0x4000, s31;
	s1 =	sadd.s32 s1, s30  }
0xbd: {  	s0 =	sor.u32 s3, s0;
	s1 =	sshll.u32 s1, $0x11  }
0xbe: {  	s0 =	sor.u32 s1, s0  }
0xbf: {  	s0 =	sadd.s32 $0x8F2B, s0  }
0xc0: {  	[sflag:s0] =	ssyncadd.remote.s32 $0x1  }
0xc1: {  	_ =	sfence.sel $0xFFFF  }
0xc2: {  	[dreg:$0x0] =	wrdreg $0xFFFFFFFF;
	(pc) =	sbr.abs _section_cstart, $3  }
0xc3: {  	[dreg:$0x1] =	wrdreg $0xFFFFFFFF  }
0xc4: {  	_ =	task.clear_ibuf [dreg:s8], $0x2FFFF;
	_ =	strace $0x9FFFFFFF  }
0xc5: {  	(tm) =	ssettm $0x7FFFFFFF  }
tec
execute0_lowered:
.L_overlay_start_1:
0x0: {  	(tag) =	ssettag $0x1  }
0x1: {  	s1 =	rddreg [dreg:$0x0]  }
0x2: {  	s8 =	rddreg [dreg:$0x1]  }
0x3: {  	s5 =	rddreg [dreg:$0x2]  }
0x4: {  	s2 =	rddreg [dreg:$0x3]  }
0x5: {  	s0 =	rddreg [dreg:$0x4];
	s3 =	simm.s32 $0x0;
	s6 =	srdreg.scid  }
0x6: {  	s23 =	stileid.u32;
	s17 =	simm.s32 $0x2800;
	s18 =	simm.s32 $0x6800  }
0x7: {  	s19 =	simm.s32 $0x1;
	s20 =	simm.s32 $0x2;
	[smem:$0x7FF] =	sst s3  }
0x8: {  	s9 =	sadd.s32 $0x1A00, s5;
	s4 =	sadd.s32 $0xBA00, s5;
	s11 =	smul.u32 $0x4F000, s23  }
0x9: {  	s6 =	sand.u32 $0x1, s6;
	s10 =	sshll.u32 s23, $0x1;
	s15 =	smul.u32 $0x13800, s23  }
0xa: {  	s12 =	sadd.s32 $0xE200, s5;
	s25 =	sshll.u32 s23, $0x6;
	s16 =	smul.u32 $0x4E000, s23  }
0xb: {  	p0 =	sne.s32 s23, $0x0;
	_ =	strace $0x80000047;
	s7 =	ssub.s32 $0x2, s6  }
0xc: {  	s10 =	sor.u32 s6, s10;
	s26 =	smul.u32 $0x138800, s6;
	s5 =	sor.u32 $0x1C03, s25  }
0xd: {  	s25 =	sadd.s32 $0x138000, s2;
	s21 =	sshrl.u32 s7, $0x1;
	s22 =	sshrl.u32 s11, $0x2  }
0xe: {  	s24 =	smul.u32 $0x2800, s10;
	s31 =	sshrl.u32 s16, $0x2;
	s16 =	simm.s32 $0x80  }
0xf: {  	s13 =	ssub.s32 s7, s21;
	s14 =	sadd.s32 s22, s2;
	s15 =	sadd.s32 s15, s26  }
0x10: {  	s30 =	sshrl.u32 s26, $0x3;
	s21 =	simm.s32 $0x2700;
	s22 =	simm.s32 $0x2780  }
0x11: {  	s28 =	sshrl.u32 s24, $0x3;
	s29 =	sshrl.u32 s15, $0x3;
	s24 =	sadd.s32 s31, s2  }
0x12: {  	s15 =	simm.s32 $0x1400;
	s6 =	sadd.s32 s8, s28;
	s7 =	sadd.s32 s9, s28  }
0x13: {  	s11 =	sadd.s32 $0x280, s28;
	s10 =	sadd.s32 s12, s29;
	s12 =	sadd.s32 s12, s30  }
0x14: {  	s23 =	sshrl.u32 s24, $0x3;
	s24 =	sshrl.u32 @!p0 s25, $0x3;
	s25 =	simm.s32 $0x0  }
0x15: {  	s8 =	sadd.s32 s8, s11;
	s9 =	sadd.s32 s9, s11;
	s11 =	sadd.s32 $0x27000, s12  }
0x16: {  	s12 =	smax.u32 s13, $0x1;
	s13 =	sshrl.u32 s14, $0x3;
	s14 =	simm.s32 $0x3  }
.LBB2_1:
0x17: {  	[spmem:s13], [sflag:s5] =	dma.local [hbm:s4], $0x2780  }
0x18: {  	_ =	swait.ge [sflag:s14], $0x2780  }
0x19: {  	[sflag:s14] =	ssyncset.done $0x0  }
0x1a: {  	[sflag:s14] =	ssyncadd.s32 $0xFFFFD880  }
0x1b: {  	[bflag:$0x0] =	sbarrier.arrive $0xFFFF  }
0x1c: {  	[tilespmem:s3], [sflag:$0x3] =	stream.linear.gather [hbm4b:s6+s3], $0x1400, $0x38;
	[tilespmem:$0x1E400] =	vst v63  }
0x1d: {  	_ =	swait.ge [sflag:s14], $0x1400  }
0x1e: {  	[sflag:s14] =	ssyncset.done $0x0  }
0x1f: {  	[sflag:s14] =	ssyncadd.s32 $0xFFFFEC00  }
0x20: {  	[tilespmem:s15], [sflag:$0x3] =	stream.linear.gather [hbm4b:s7+s3], $0x1400, $0x38;
	[tilespmem:$0x1E400] =	vst v63  }
0x21: {  	_ =	swait.ge [sflag:s14], $0x1400  }
0x22: {  	[sflag:s14] =	ssyncset.done $0x0  }
0x23: {  	[sflag:s14] =	ssyncadd.s32 $0xFFFFEC00  }
0x24: {  	[tilespmem:s17], [sflag:$0x1] =	stream.indirect.gather [hbm4b:s1+s16], $0x80, s3, s16, $0xb8;
	[tilespmem:$0x1E400] =	vst v63  }
0x25: {  	_ = 	snop  }
0x26: {  	[tilespmem:s18], [sflag:$0x2] =	stream.indirect.gather [hbm4b:s1+s16], $0x80, s16, s16, $0xb8;
	[tilespmem:$0x1E400] =	vst v63  }
0x27: {  	_ =	swait.ge [sflag:s19], $0x4000  }
0x28: {  	[sflag:s19] =	ssyncset.done $0x0  }
0x29: {  	s26 =	simm.s32 $0x1400;
	[sflag:s19] =	ssyncadd.s32 $0xFFFFC000  }
0x2a: {  	[spmem:s2] =	stream.indirect.scatter.add.f32 [tilespmem:s17], [sflag:$0x3], $0x80, s26, s16, $0xb8;
	[tilespmem:$0x1E400] =	vst v63  }
0x2b: {  	_ =	swait.ge [sflag:s14], $0x4000  }
0x2c: {  	[sflag:s14] =	ssyncset.done $0x0  }
0x2d: {  	s30 =	simm.s32 $0x100;
	[sflag:s14] =	ssyncadd.s32 $0xFFFFC000  }
0x2e: {  	[tilespmem:s17], [sflag:$0x1] =	stream.indirect.gather [hbm4b:s1+s16], $0x80, s30, s16, $0xb8;
	[tilespmem:$0x1E400] =	vst v63  }
0x2f: {  	_ =	swait.ge [sflag:s20], $0x4000  }
0x30: {  	[sflag:s20] =	ssyncset.done $0x0  }
0x31: {  	s31 =	simm.s32 $0x1480;
	[sflag:s20] =	ssyncadd.s32 $0xFFFFC000  }
0x32: {  	[spmem:s2] =	stream.indirect.scatter.add.f32 [tilespmem:s18], [sflag:$0x3], $0x80, s31, s16, $0xb8;
	[tilespmem:$0x1E400] =	vst v63  }
0x33: {  	_ =	swait.ge [sflag:s14], $0x4000  }
0x34: {  	[sflag:s14] =	ssyncset.done $0x0  }
0x35: {  	s28 =	simm.s32 $0x180;
	s26 =	simm.s32 $0x400;
	[sflag:s14] =	ssyncadd.s32 $0xFFFFC000  }
.LBB2_2:
0x36: {  	[tilespmem:s18], [sflag:$0x2] =	stream.indirect.gather [hbm4b:s1+s16], $0x80, s28, s16, $0xb8;
	[tilespmem:$0x1E400] =	vst v63  }
0x37: {  	s28 =	smov.u32 s26  }
0x38: {  	p1 =	sne.s32 s26, $0x4800;
	s26 =	sadd.s32 $0x400, s26;
	_ =	swait.ge [sflag:s19], $0x4000  }
0x39: {  	s28 =	sshra.s32 s28, $0x2;
	[sflag:s19] =	ssyncset.done $0x0  }
0x3a: {  	s29 =	sadd.s32 $0x1400, s28;
	[sflag:s19] =	ssyncadd.s32 $0xFFFFC000  }
0x3b: {  	[spmem:s2] =	stream.indirect.scatter.add.f32 [tilespmem:s17], [sflag:$0x3], $0x80, s29, s16, $0xb8;
	[tilespmem:$0x1E400] =	vst v63  }
0x3c: {  	_ =	swait.ge [sflag:s14], $0x4000  }
0x3d: {  	[sflag:s14] =	ssyncset.done $0x0  }
0x3e: {  	s29 =	sadd.s32 $0x100, s28;
	[sflag:s14] =	ssyncadd.s32 $0xFFFFC000  }
0x3f: {  	[tilespmem:s17], [sflag:$0x1] =	stream.indirect.gather [hbm4b:s1+s16], $0x80, s29, s16, $0xb8;
	[tilespmem:$0x1E400] =	vst v63  }
0x40: {  	_ =	swait.ge [sflag:s20], $0x4000  }
0x41: {  	[sflag:s20] =	ssyncset.done $0x0  }
.Ltmp0:
0x42: {  	s29 =	sadd.s32 $0x1480, s28;
	[sflag:s20] =	ssyncadd.s32 $0xFFFFC000;
	(pc) =	sbr.rel @p1 .LBB2_2-.Ltmp0, $4  }
0x43: {  	[spmem:s2] =	stream.indirect.scatter.add.f32 [tilespmem:s18], [sflag:$0x3], $0x80, s29, s16, $0xb8;
	[tilespmem:$0x1E400] =	vst v63  }
0x44: {  	_ =	swait.ge [sflag:s14], $0x4000  }
0x45: {  	[sflag:s14] =	ssyncset.done $0x0  }
0x46: {  	s28 =	sadd.s32 $0x180, s28;
	[sflag:s14] =	ssyncadd.s32 $0xFFFFC000  }
0x47: {  	[tilespmem:s18], [sflag:$0x2] =	stream.indirect.gather [hbm4b:s1+s16], $0x80, s28, s16, $0xb8;
	[tilespmem:$0x1E400] =	vst v63  }
0x48: {  	_ =	swait.ge [sflag:s19], $0x4000  }
0x49: {  	[sflag:s19] =	ssyncset.done $0x0  }
0x4a: {  	[sflag:s19] =	ssyncadd.s32 $0xFFFFC000  }
0x4b: {  	[spmem:s2] =	stream.indirect.scatter.add.f32 [tilespmem:s17], [sflag:$0x3], $0x80, s21, s16, $0xb8;
	[tilespmem:$0x1E400] =	vst v63  }
0x4c: {  	_ =	swait.ge [sflag:s14], $0x4000  }
0x4d: {  	[sflag:s14] =	ssyncset.done $0x0  }
0x4e: {  	[sflag:s14] =	ssyncadd.s32 $0xFFFFC000  }
0x4f: {  	_ =	swait.ge [sflag:s20], $0x4000  }
0x50: {  	[sflag:s20] =	ssyncset.done $0x0  }
0x51: {  	[sflag:s20] =	ssyncadd.s32 $0xFFFFC000  }
0x52: {  	[spmem:s2] =	stream.indirect.scatter.add.f32 [tilespmem:s18], [sflag:$0x3], $0x80, s22, s16, $0xb8;
	[tilespmem:$0x1E400] =	vst v63  }
0x53: {  	_ =	swait.ge [sflag:s14], $0x4000  }
0x54: {  	[sflag:s14] =	ssyncset.done $0x0  }
0x55: {  	s26 =	simm.s32 $0x0;
	[sflag:s14] =	ssyncadd.s32 $0xFFFFC000  }
0x56: {  	[tilespmem:s26], [sflag:$0x3] =	stream.linear.gather [hbm4b:s8+s26], $0x1400, $0x38;
	[tilespmem:$0x1E400] =	vst v63  }
0x57: {  	_ =	swait.ge [sflag:s14], $0x1400  }
0x58: {  	[sflag:s14] =	ssyncset.done $0x0  }
0x59: {  	[sflag:s14] =	ssyncadd.s32 $0xFFFFEC00  }
0x5a: {  	[tilespmem:s15], [sflag:$0x3] =	stream.linear.gather [hbm4b:s9+s26], $0x1400, $0x38;
	[tilespmem:$0x1E400] =	vst v63  }
0x5b: {  	_ =	swait.ge [sflag:s14], $0x1400  }
0x5c: {  	[sflag:s14] =	ssyncset.done $0x0  }
0x5d: {  	[sflag:s14] =	ssyncadd.s32 $0xFFFFEC00  }
0x5e: {  	[tilespmem:s17], [sflag:$0x1] =	stream.indirect.gather [hbm4b:s1+s16], $0x80, s26, s16, $0xb8;
	[tilespmem:$0x1E400] =	vst v63  }
0x5f: {  	_ = 	snop  }
0x60: {  	[tilespmem:s18], [sflag:$0x2] =	stream.indirect.gather [hbm4b:s1+s16], $0x80, s16, s16, $0xb8;
	[tilespmem:$0x1E400] =	vst v63  }
0x61: {  	_ =	swait.ge [sflag:s19], $0x4000  }
0x62: {  	[sflag:s19] =	ssyncset.done $0x0  }
0x63: {  	s29 =	simm.s32 $0x1400;
	[sflag:s19] =	ssyncadd.s32 $0xFFFFC000  }
0x64: {  	[spmem:s2] =	stream.indirect.scatter.add.f32 [tilespmem:s17], [sflag:$0x3], $0x80, s29, s16, $0xb8;
	[tilespmem:$0x1E400] =	vst v63  }
0x65: {  	_ =	swait.ge [sflag:s14], $0x4000  }
0x66: {  	[sflag:s14] =	ssyncset.done $0x0  }
0x67: {  	s30 =	simm.s32 $0x100;
	[sflag:s14] =	ssyncadd.s32 $0xFFFFC000  }
0x68: {  	[tilespmem:s17], [sflag:$0x1] =	stream.indirect.gather [hbm4b:s1+s16], $0x80, s30, s16, $0xb8;
	[tilespmem:$0x1E400] =	vst v63  }
0x69: {  	_ =	swait.ge [sflag:s20], $0x4000  }
0x6a: {  	[sflag:s20] =	ssyncset.done $0x0  }
0x6b: {  	s31 =	simm.s32 $0x1480;
	[sflag:s20] =	ssyncadd.s32 $0xFFFFC000  }
0x6c: {  	[spmem:s2] =	stream.indirect.scatter.add.f32 [tilespmem:s18], [sflag:$0x3], $0x80, s31, s16, $0xb8;
	[tilespmem:$0x1E400] =	vst v63  }
0x6d: {  	_ =	swait.ge [sflag:s14], $0x4000  }
0x6e: {  	[sflag:s14] =	ssyncset.done $0x0  }
0x6f: {  	s28 =	simm.s32 $0x180;
	s26 =	simm.s32 $0x400;
	[sflag:s14] =	ssyncadd.s32 $0xFFFFC000  }
.LBB2_4:
0x70: {  	[tilespmem:s18], [sflag:$0x2] =	stream.indirect.gather [hbm4b:s1+s16], $0x80, s28, s16, $0xb8;
	[tilespmem:$0x1E400] =	vst v63  }
0x71: {  	s28 =	smov.u32 s26  }
0x72: {  	p1 =	sne.s32 s26, $0x4800;
	s26 =	sadd.s32 $0x400, s26;
	_ =	swait.ge [sflag:s19], $0x4000  }
0x73: {  	s28 =	sshra.s32 s28, $0x2;
	[sflag:s19] =	ssyncset.done $0x0  }
0x74: {  	s29 =	sadd.s32 $0x1400, s28;
	[sflag:s19] =	ssyncadd.s32 $0xFFFFC000  }
0x75: {  	[spmem:s2] =	stream.indirect.scatter.add.f32 [tilespmem:s17], [sflag:$0x3], $0x80, s29, s16, $0xb8;
	[tilespmem:$0x1E400] =	vst v63  }
0x76: {  	_ =	swait.ge [sflag:s14], $0x4000  }
0x77: {  	[sflag:s14] =	ssyncset.done $0x0  }
0x78: {  	s29 =	sadd.s32 $0x100, s28;
	[sflag:s14] =	ssyncadd.s32 $0xFFFFC000  }
0x79: {  	[tilespmem:s17], [sflag:$0x1] =	stream.indirect.gather [hbm4b:s1+s16], $0x80, s29, s16, $0xb8;
	[tilespmem:$0x1E400] =	vst v63  }
0x7a: {  	_ =	swait.ge [sflag:s20], $0x4000  }
0x7b: {  	[sflag:s20] =	ssyncset.done $0x0  }
.Ltmp1:
0x7c: {  	s29 =	sadd.s32 $0x1480, s28;
	[sflag:s20] =	ssyncadd.s32 $0xFFFFC000;
	(pc) =	sbr.rel @p1 .LBB2_4-.Ltmp1, $4  }
0x7d: {  	[spmem:s2] =	stream.indirect.scatter.add.f32 [tilespmem:s18], [sflag:$0x3], $0x80, s29, s16, $0xb8;
	[tilespmem:$0x1E400] =	vst v63  }
0x7e: {  	_ =	swait.ge [sflag:s14], $0x4000  }
0x7f: {  	[sflag:s14] =	ssyncset.done $0x0  }
0x80: {  	s28 =	sadd.s32 $0x180, s28;
	[sflag:s14] =	ssyncadd.s32 $0xFFFFC000  }
0x81: {  	[tilespmem:s18], [sflag:$0x2] =	stream.indirect.gather [hbm4b:s1+s16], $0x80, s28, s16, $0xb8;
	[tilespmem:$0x1E400] =	vst v63  }
0x82: {  	_ =	swait.ge [sflag:s19], $0x4000  }
0x83: {  	[sflag:s19] =	ssyncset.done $0x0  }
0x84: {  	[sflag:s19] =	ssyncadd.s32 $0xFFFFC000  }
0x85: {  	[spmem:s2] =	stream.indirect.scatter.add.f32 [tilespmem:s17], [sflag:$0x3], $0x80, s21, s16, $0xb8;
	[tilespmem:$0x1E400] =	vst v63  }
0x86: {  	_ =	swait.ge [sflag:s14], $0x4000  }
0x87: {  	[sflag:s14] =	ssyncset.done $0x0  }
0x88: {  	[sflag:s14] =	ssyncadd.s32 $0xFFFFC000  }
0x89: {  	_ =	swait.ge [sflag:s20], $0x4000  }
0x8a: {  	[sflag:s20] =	ssyncset.done $0x0  }
0x8b: {  	[sflag:s20] =	ssyncadd.s32 $0xFFFFC000  }
0x8c: {  	[spmem:s2] =	stream.indirect.scatter.add.f32 [tilespmem:s18], [sflag:$0x3], $0x80, s22, s16, $0xb8;
	[tilespmem:$0x1E400] =	vst v63  }
0x8d: {  	_ =	swait.ge [sflag:s14], $0x4000  }
0x8e: {  	[sflag:s14] =	ssyncset.done $0x0  }
0x8f: {  	[sflag:s14] =	ssyncadd.s32 $0xFFFFC000  }
0x90: {  	[bflag:$0x0] =	sbarrier.arrive $0xFFFF  }
0x91: {  	[hbm:s10], [sflag:s5] =	dma.local [spmem:s23], $0x2700  }
0x92: {  	s25 =	sadd.s32 $0x1, s25;
	_ =	swait.ge [sflag:s14], $0x2700  }
0x93: {  	p1 =	sne.s32 s25, s12;
	[sflag:s14] =	ssyncset.done $0x0  }
.Ltmp2:
0x94: {  	s26 =	simm.s32 @!p0 $0x3;
	[sflag:s14] =	ssyncadd.s32 $0xFFFFD900;
	(pc) =	sbr.rel @p1 .LBB2_1-.Ltmp2, $4  }
0x95: {  	[hbm:s11], [sflag:s5] =	dma.local @!p0 [spmem:s24], $0x100  }
0x96: {  	_ =	swait.ge @!p0 [sflag:s26], $0x100  }
0x97: {  	[sflag:s26] =	ssyncset.done @!p0 $0x0  }
0x98: {  	[sflag:s26] =	ssyncadd.s32 @!p0 $0xFFFFFF00  }
0x99: {  	_ =	sfence.sel $0x180000  }
0x9a: {  	[bflag:$0x0] =	sbarrier.arrive $0xFFFF  }
0x9b: {  	_ =	strace $0x90000047  }
0x9c: {  	s0 =	sadd.s32 @!p0 $0x100000, s0;
	[bflag:$0x2] =	sbarrier.arrive $0xFFFF  }
0x9d: {  	[sflag:s0] =	ssyncadd.tile.s32 @!p0 $0x1;
	_ =	shalt  }
.Lfunc_end2:
_tile_overlayer_lowered:
.L_overlay_start_2:
0x9e: {  	(tag) =	ssettag $0x2  }
0x9f: {  	s0 =	rddreg [dreg:$0x0];
	s2 =	stileid.u32  }
0xa0: {  	s1 =	rddreg [dreg:$0x1];
	p0 =	sne.s32 s2, $0x0  }
0xa1: {  	s3 =	rddreg [dreg:$0x2];
	[bflag:$0x3] =	sbarrier.arrive $0xFFFF;
	s2 =	simm.s32 @!p0 $0x1C03  }
0xa2: {  	[timem:s3], [sflag:s2] =	dma.local @!p0 [hbm:s0], s1  }
0xa3: {  	s0 =	simm.s32 @!p0 $0x3  }
0xa4: {  	_ =	swait.ge @!p0 [sflag:s0], s1  }
0xa5: {  	s1 =	ssub.s32 @!p0 $0x0, s1;
	[sflag:s0] =	ssyncset.done @!p0 $0x0  }
0xa6: {  	[sflag:s0] =	ssyncadd.s32 @!p0 s1  }
0xa7: {  	[bflag:$0x3] =	sbarrier.arrive $0xFFFF  }
0xa8: {  	_ =	shalt  }

</sc_bundles>
